<compile_context>
chip_gen: v7x
topology: tpu7x:2x2x1
jax: 0.10.2.dev20260603
libtpu: 0.0.44.dev20260713+nightly
codegen_flags: <defaults>
</compile_context>

<pallas_src>
import jax
import jax.numpy as jnp
from jax import lax
from jax.experimental import pallas as pl
from jax.experimental.pallas import tpu as pltpu
from jax.experimental.pallas import tpu_sc as plsc

N_NODES = 10000
N_EDGES = 320000
D_FEAT = 128

NC = 2
NS = 16
NW = NC * NS
CPT = D_FEAT // NW
N_PAD = 10240
EC = 2048
NECH = 160
E_PAD = NECH * EC


def _sc_body(xT_hbm, sd_hbm, w_hbm, out_hbm,
             xc, ac, er_sd, er_w, sem_e):
    cid = lax.axis_index("c")
    sid = lax.axis_index("s")
    gid = cid * NS + sid

    pltpu.sync_copy(xT_hbm.at[pl.ds(gid * CPT, CPT)], xc)

    def _z(i, carry):
        for c in range(CPT):
            ac[c, pl.ds(i * 16, 16)] = jnp.zeros((16,), jnp.float32)
        return carry
    lax.fori_loop(0, N_PAD // 16, _z, 0)

    def start_chunk(ci, b):
        pltpu.async_copy(sd_hbm.at[ci], er_sd.at[b], sem_e.at[b])
        pltpu.async_copy(w_hbm.at[ci], er_w.at[b], sem_e.at[b])

    def wait_chunk(ci, b):
        pltpu.make_async_copy(sd_hbm.at[ci], er_sd.at[b], sem_e.at[b]).wait()
        pltpu.make_async_copy(w_hbm.at[ci], er_w.at[b], sem_e.at[b]).wait()

    start_chunk(0, 0)
    start_chunk(1, 1)

    UNROLL = 4

    def _edge_group(g, carry):
        b = carry
        scaled = []
        dsts = []
        for u in range(UNROLL):
            sl = pl.ds((UNROLL * g + u) * 16, 16)
            sd_v = er_sd[b, sl]
            src_v = sd_v & jnp.int32(0xFFFF)
            dsts.append(lax.shift_right_logical(sd_v, jnp.int32(16)))
            w_v = er_w[b, sl]
            vals = [plsc.load_gather(xc.at[c], [src_v]) for c in range(CPT)]
            scaled.append([v * w_v for v in vals])
        for u in range(UNROLL):
            for c in range(CPT):
                plsc.addupdate_scatter(ac.at[c], [dsts[u]], scaled[u][c])
        return carry

    def _chunk(ci, b):
        wait_chunk(ci, b)
        lax.fori_loop(0, EC // (16 * UNROLL), _edge_group, b)
        @pl.when(ci + 2 < NECH)
        def _():
            start_chunk(ci + 2, b)

    def _pair(i, carry):
        _chunk(2 * i, 0)
        _chunk(2 * i + 1, 1)
        return carry
    lax.fori_loop(0, NECH // 2, _pair, 0)

    pltpu.sync_copy(ac, out_hbm.at[pl.ds(gid * CPT, CPT)])


@jax.jit
def _sc_aggregate(xT, sd_p, w_p):
    mesh = plsc.VectorSubcoreMesh(core_axis_name="c", subcore_axis_name="s")
    f = pl.kernel(
        _sc_body,
        out_type=jax.ShapeDtypeStruct((D_FEAT, N_PAD), jnp.float32),
        mesh=mesh,
        scratch_types=[
            pltpu.VMEM((CPT, N_PAD), jnp.float32),
            pltpu.VMEM((CPT, N_PAD), jnp.float32),
            pltpu.VMEM((2, EC), jnp.int32),
            pltpu.VMEM((2, EC), jnp.float32),
            pltpu.SemaphoreType.DMA((2,)),
        ],
        compiler_params=pltpu.CompilerParams(use_tc_tiling_on_sc=False, needs_layout_passes=False),
    )
    return f(xT, sd_p, w_p)


def kernel(x, edge_index, edge_weight):
    src = edge_index[0]
    dst = edge_index[1]
    pad = E_PAD - N_EDGES
    sd = src | (dst << 16)
    sd_p = jnp.concatenate([sd, jnp.zeros((pad,), jnp.int32)]).reshape(
        NECH, EC)
    w_p = jnp.concatenate(
        [edge_weight, jnp.zeros((pad,), jnp.float32)]).reshape(NECH, EC)
    xT = jnp.pad(x, ((0, N_PAD - N_NODES), (0, 0))).T
    outT = _sc_aggregate(xT, sd_p, w_p)
    return outT[:, :N_NODES].T

# --- scband reference (transcript-rebuilt; emitter-appended) ---
"""Pipeline reference for scband-weighted-lgn-50912542327300 (READ-ONLY COPY).

The authoritative reference and input builder live on the scoring server;
editing this copy changes nothing except your own understanding.
"""

import jax, jax.numpy as jnp
import numpy as np

N_NODES = 10000
N_EDGES = 320000
D_FEAT = 128


def setup_inputs(seed: int = 0) -> dict:
    key = jax.random.key(seed)
    k1, k2, k3 = jax.random.split(key, 3)
    x = jax.random.normal(k1, (N_NODES, D_FEAT), dtype=jnp.float32)
    edge_index = jax.random.randint(k2, (2, N_EDGES), 0, N_NODES, dtype=jnp.int32)
    edge_weight = jax.random.uniform(k3, (N_EDGES,), dtype=jnp.float32)
    return {"x": x, "edge_index": edge_index, "edge_weight": edge_weight}


def reference(x, edge_index, edge_weight):
    # DGL update_all(fn.u_mul_e('h','w','m'), fn.sum('m','h')):
    # message m_e = h_src[e] * w_e ; dst feature = sum of incoming messages.
    src = edge_index[0]
    dst = edge_index[1]
    messages = jnp.take(x, src, axis=0) * edge_weight[:, None]
    out = jax.ops.segment_sum(messages, dst, num_segments=N_NODES)
    return out

if __name__ == "__main__":
    import jax
    _d = setup_inputs()
    print(jax.jit(kernel)(*tuple(_d.values())))

</pallas_src>

<mosaic_0001>
#map = affine_map<(d0, d1) -> (0, 0)>
module attributes {stable_mosaic.version = 14 : i64} {
  func.func @_sc_body(%arg0: i32, %arg1: i32, %arg2: memref<128x10240xf32, #tpu.memory_space<hbm>>, %arg3: memref<160x2048xi32, #tpu.memory_space<hbm>>, %arg4: memref<160x2048xf32, #tpu.memory_space<hbm>>, %arg5: memref<128x10240xf32, #tpu.memory_space<hbm>>, %arg6: memref<4x10240xf32, #tpu.memory_space<vmem>>, %arg7: memref<4x10240xf32, #tpu.memory_space<vmem>>, %arg8: memref<2x2048xi32, #tpu.memory_space<vmem>>, %arg9: memref<2x2048xf32, #tpu.memory_space<vmem>>, %arg10: memref<2x!tpu.dma_semaphore, #tpu.memory_space<semaphore_mem>>) attributes {dimension_semantics = [#tpu.dimension_semantics<core_parallel>, #tpu.dimension_semantics<subcore_parallel>], iteration_bounds = array<i64: 2, 16>, scalar_prefetch = 0 : i64, scratch_operands = 5 : i64, tpu.core_type = #tpu.core_type<sc_vector_subcore>, window_params = [{transform_indices = #map}, {transform_indices = #map}, {transform_indices = #map}, {transform_indices = #map}]} {
    %mul3A = arith.constant 16 : i32
    %mul3A_0 = arith.muli %arg0, %mul3A : i32
    %add3A = arith.addi %mul3A_0, %arg1 : i32
    %mul3A_1 = arith.constant 4 : i32
    %mul3A_2 = arith.muli %add3A, %mul3A_1 : i32
    "tpu.region"() ({
      %run_scoped3A = tpu.sem_alloc : memref<!tpu.dma_semaphore, #tpu.memory_space<semaphore_mem>>
      %dma_start3A_83 = arith.constant 0 : i32
      %dma_start3A_84 = tpu.memref_slice %arg2[%mul3A_2, %dma_start3A_83] : memref<128x10240xf32, #tpu.memory_space<hbm>> -> memref<4x10240xf32, #tpu.memory_space<hbm>>
      %dma_start3A_85 = arith.constant 0 : i32
      %dma_start3A_86 = tpu.memref_slice %arg2[%mul3A_2, %dma_start3A_85] : memref<128x10240xf32, #tpu.memory_space<hbm>> -> memref<4x10240xf32, #tpu.memory_space<hbm>>
      tpu.enqueue_dma source(%dma_start3A_86 : memref<4x10240xf32, #tpu.memory_space<hbm>>) target(%arg6 : memref<4x10240xf32, #tpu.memory_space<vmem>>) target_semaphore(%run_scoped3A : memref<!tpu.dma_semaphore, #tpu.memory_space<semaphore_mem>>)
      %dma_wait3A = arith.constant 0 : i32
      %dma_wait3A_87 = tpu.memref_slice %arg2[%mul3A_2, %dma_wait3A] : memref<128x10240xf32, #tpu.memory_space<hbm>> -> memref<4x10240xf32, #tpu.memory_space<hbm>>
      %dma_wait3A_88 = arith.constant 0 : i32
      %dma_wait3A_89 = tpu.memref_slice %arg2[%mul3A_2, %dma_wait3A_88] : memref<128x10240xf32, #tpu.memory_space<hbm>> -> memref<4x10240xf32, #tpu.memory_space<hbm>>
      tpu.wait_dma2 semaphore(%run_scoped3A : memref<!tpu.dma_semaphore, #tpu.memory_space<semaphore_mem>>) src(%dma_wait3A_89 : memref<4x10240xf32, #tpu.memory_space<hbm>>) dst(%arg6 : memref<4x10240xf32, #tpu.memory_space<vmem>>)
      tpu.yield
    }) : () -> ()
    %scan3A = arith.constant 0 : i32
    %scan3A_3 = arith.constant 0 : i32
    %scan3A_4 = arith.constant 640 : i32
    %scan3A_5 = arith.addi %scan3A_3, %scan3A_4 : i32
    %scan3A_6 = arith.constant 1 : i32
    scf.for %scan3A_83 = %scan3A_3 to %scan3A_5 step %scan3A_6  : i32 {
      %broadcast_in_dim3A = arith.constant 0.000000e+00 : f32
      %broadcast_in_dim3A_84 = vector.broadcast %broadcast_in_dim3A : f32 to vector<16xf32>
      %mul3A_85 = arith.constant 16 : i32
      %mul3A_86 = arith.muli %scan3A_83, %mul3A_85 : i32
      %swap3A = arith.constant 0 : i32
      %swap3A_87 = arith.index_cast %swap3A : i32 to index
      %swap3A_88 = arith.index_cast %mul3A_86 : i32 to index
      %swap3A_89 = tpu.vector_load %arg7[%swap3A_87, %swap3A_88] {strides = array<i32>} : memref<4x10240xf32, #tpu.memory_space<vmem>>, vector<16xf32>,
      tpu.vector_store %arg7[%swap3A_87, %swap3A_88], %broadcast_in_dim3A_84 {strides = array<i32>} : memref<4x10240xf32, #tpu.memory_space<vmem>>, vector<16xf32>,
      %broadcast_in_dim3A_90 = arith.constant 0.000000e+00 : f32
      %broadcast_in_dim3A_91 = vector.broadcast %broadcast_in_dim3A_90 : f32 to vector<16xf32>
      %mul3A_92 = arith.constant 16 : i32
      %mul3A_93 = arith.muli %scan3A_83, %mul3A_92 : i32
      %swap3A_94 = arith.constant 1 : i32
      %swap3A_95 = arith.index_cast %swap3A_94 : i32 to index
      %swap3A_96 = arith.index_cast %mul3A_93 : i32 to index
      %swap3A_97 = tpu.vector_load %arg7[%swap3A_95, %swap3A_96] {strides = array<i32>} : memref<4x10240xf32, #tpu.memory_space<vmem>>, vector<16xf32>,
      tpu.vector_store %arg7[%swap3A_95, %swap3A_96], %broadcast_in_dim3A_91 {strides = array<i32>} : memref<4x10240xf32, #tpu.memory_space<vmem>>, vector<16xf32>,
      %broadcast_in_dim3A_98 = arith.constant 0.000000e+00 : f32
      %broadcast_in_dim3A_99 = vector.broadcast %broadcast_in_dim3A_98 : f32 to vector<16xf32>
      %mul3A_100 = arith.constant 16 : i32
      %mul3A_101 = arith.muli %scan3A_83, %mul3A_100 : i32
      %swap3A_102 = arith.constant 2 : i32
      %swap3A_103 = arith.index_cast %swap3A_102 : i32 to index
      %swap3A_104 = arith.index_cast %mul3A_101 : i32 to index
      %swap3A_105 = tpu.vector_load %arg7[%swap3A_103, %swap3A_104] {strides = array<i32>} : memref<4x10240xf32, #tpu.memory_space<vmem>>, vector<16xf32>,
      tpu.vector_store %arg7[%swap3A_103, %swap3A_104], %broadcast_in_dim3A_99 {strides = array<i32>} : memref<4x10240xf32, #tpu.memory_space<vmem>>, vector<16xf32>,
      %broadcast_in_dim3A_106 = arith.constant 0.000000e+00 : f32
      %broadcast_in_dim3A_107 = vector.broadcast %broadcast_in_dim3A_106 : f32 to vector<16xf32>
      %mul3A_108 = arith.constant 16 : i32
      %mul3A_109 = arith.muli %scan3A_83, %mul3A_108 : i32
      %swap3A_110 = arith.constant 3 : i32
      %swap3A_111 = arith.index_cast %swap3A_110 : i32 to index
      %swap3A_112 = arith.index_cast %mul3A_109 : i32 to index
      %swap3A_113 = tpu.vector_load %arg7[%swap3A_111, %swap3A_112] {strides = array<i32>} : memref<4x10240xf32, #tpu.memory_space<vmem>>, vector<16xf32>,
      tpu.vector_store %arg7[%swap3A_111, %swap3A_112], %broadcast_in_dim3A_107 {strides = array<i32>} : memref<4x10240xf32, #tpu.memory_space<vmem>>, vector<16xf32>,
    }
    %scan3A_7 = arith.constant 640 : i32
    %dma_start3A = arith.constant 0 : i32
    %dma_start3A_8 = arith.constant 0 : i32
    %dma_start3A_9 = arith.constant 0 : i32
    %dma_start3A_10 = arith.constant 0 : i32
    %dma_start3A_11 = tpu.memref_slice %arg8[%dma_start3A_8, %dma_start3A_10] : memref<2x2048xi32, #tpu.memory_space<vmem>> -> memref<1x2048xi32, #tpu.memory_space<vmem>>
    %dma_start3A_12 = tpu.memref_squeeze %dma_start3A_11 : memref<1x2048xi32, #tpu.memory_space<vmem>> -> memref<2048xi32, #tpu.memory_space<vmem>>
    %dma_start3A_13 = arith.constant 0 : i32
    %dma_start3A_14 = tpu.memref_slice %arg3[%dma_start3A, %dma_start3A_13] : memref<160x2048xi32, #tpu.memory_space<hbm>> -> memref<1x2048xi32, #tpu.memory_space<hbm>>
    %dma_start3A_15 = tpu.memref_squeeze %dma_start3A_14 : memref<1x2048xi32, #tpu.memory_space<hbm>> -> memref<2048xi32, #tpu.memory_space<hbm>>
    %dma_start3A_16 = tpu.memref_slice %arg10[%dma_start3A_9] : memref<2x!tpu.dma_semaphore, #tpu.memory_space<semaphore_mem>> -> memref<1x!tpu.dma_semaphore, #tpu.memory_space<semaphore_mem>>
    %dma_start3A_17 = tpu.memref_squeeze %dma_start3A_16 : memref<1x!tpu.dma_semaphore, #tpu.memory_space<semaphore_mem>> -> memref<!tpu.dma_semaphore, #tpu.memory_space<semaphore_mem>>
    %dma_start3A_18 = arith.constant 0 : i32
    %dma_start3A_19 = tpu.memref_slice %arg8[%dma_start3A_8, %dma_start3A_18] : memref<2x2048xi32, #tpu.memory_space<vmem>> -> memref<1x2048xi32, #tpu.memory_space<vmem>>
    %dma_start3A_20 = tpu.memref_squeeze %dma_start3A_19 : memref<1x2048xi32, #tpu.memory_space<vmem>> -> memref<2048xi32, #tpu.memory_space<vmem>>
    %dma_start3A_21 = arith.constant 0 : i32
    %dma_start3A_22 = tpu.memref_slice %arg3[%dma_start3A, %dma_start3A_21] : memref<160x2048xi32, #tpu.memory_space<hbm>> -> memref<1x2048xi32, #tpu.memory_space<hbm>>
    %dma_start3A_23 = tpu.memref_squeeze %dma_start3A_22 : memref<1x2048xi32, #tpu.memory_space<hbm>> -> memref<2048xi32, #tpu.memory_space<hbm>>
    tpu.enqueue_dma source(%dma_start3A_23 : memref<2048xi32, #tpu.memory_space<hbm>>) target(%dma_start3A_20 : memref<2048xi32, #tpu.memory_space<vmem>>) target_semaphore(%dma_start3A_17 : memref<!tpu.dma_semaphore, #tpu.memory_space<semaphore_mem>>)
    %dma_start3A_24 = arith.constant 0 : i32
    %dma_start3A_25 = arith.constant 0 : i32
    %dma_start3A_26 = arith.constant 0 : i32
    %dma_start3A_27 = arith.constant 0 : i32
    %dma_start3A_28 = tpu.memref_slice %arg9[%dma_start3A_25, %dma_start3A_27] : memref<2x2048xf32, #tpu.memory_space<vmem>> -> memref<1x2048xf32, #tpu.memory_space<vmem>>
    %dma_start3A_29 = tpu.memref_squeeze %dma_start3A_28 : memref<1x2048xf32, #tpu.memory_space<vmem>> -> memref<2048xf32, #tpu.memory_space<vmem>>
    %dma_start3A_30 = arith.constant 0 : i32
    %dma_start3A_31 = tpu.memref_slice %arg4[%dma_start3A_24, %dma_start3A_30] : memref<160x2048xf32, #tpu.memory_space<hbm>> -> memref<1x2048xf32, #tpu.memory_space<hbm>>
    %dma_start3A_32 = tpu.memref_squeeze %dma_start3A_31 : memref<1x2048xf32, #tpu.memory_space<hbm>> -> memref<2048xf32, #tpu.memory_space<hbm>>
    %dma_start3A_33 = tpu.memref_slice %arg10[%dma_start3A_26] : memref<2x!tpu.dma_semaphore, #tpu.memory_space<semaphore_mem>> -> memref<1x!tpu.dma_semaphore, #tpu.memory_space<semaphore_mem>>
    %dma_start3A_34 = tpu.memref_squeeze %dma_start3A_33 : memref<1x!tpu.dma_semaphore, #tpu.memory_space<semaphore_mem>> -> memref<!tpu.dma_semaphore, #tpu.memory_space<semaphore_mem>>
    %dma_start3A_35 = arith.constant 0 : i32
    %dma_start3A_36 = tpu.memref_slice %arg9[%dma_start3A_25, %dma_start3A_35] : memref<2x2048xf32, #tpu.memory_space<vmem>> -> memref<1x2048xf32, #tpu.memory_space<vmem>>
    %dma_start3A_37 = tpu.memref_squeeze %dma_start3A_36 : memref<1x2048xf32, #tpu.memory_space<vmem>> -> memref<2048xf32, #tpu.memory_space<vmem>>
    %dma_start3A_38 = arith.constant 0 : i32
    %dma_start3A_39 = tpu.memref_slice %arg4[%dma_start3A_24, %dma_start3A_38] : memref<160x2048xf32, #tpu.memory_space<hbm>> -> memref<1x2048xf32, #tpu.memory_space<hbm>>
    %dma_start3A_40 = tpu.memref_squeeze %dma_start3A_39 : memref<1x2048xf32, #tpu.memory_space<hbm>> -> memref<2048xf32, #tpu.memory_space<hbm>>
    tpu.enqueue_dma source(%dma_start3A_40 : memref<2048xf32, #tpu.memory_space<hbm>>) target(%dma_start3A_37 : memref<2048xf32, #tpu.memory_space<vmem>>) target_semaphore(%dma_start3A_34 : memref<!tpu.dma_semaphore, #tpu.memory_space<semaphore_mem>>)
    %dma_start3A_41 = arith.constant 1 : i32
    %dma_start3A_42 = arith.constant 1 : i32
    %dma_start3A_43 = arith.constant 1 : i32
    %dma_start3A_44 = arith.constant 0 : i32
    %dma_start3A_45 = tpu.memref_slice %arg8[%dma_start3A_42, %dma_start3A_44] : memref<2x2048xi32, #tpu.memory_space<vmem>> -> memref<1x2048xi32, #tpu.memory_space<vmem>>
    %dma_start3A_46 = tpu.memref_squeeze %dma_start3A_45 : memref<1x2048xi32, #tpu.memory_space<vmem>> -> memref<2048xi32, #tpu.memory_space<vmem>>
    %dma_start3A_47 = arith.constant 0 : i32
    %dma_start3A_48 = tpu.memref_slice %arg3[%dma_start3A_41, %dma_start3A_47] : memref<160x2048xi32, #tpu.memory_space<hbm>> -> memref<1x2048xi32, #tpu.memory_space<hbm>>
    %dma_start3A_49 = tpu.memref_squeeze %dma_start3A_48 : memref<1x2048xi32, #tpu.memory_space<hbm>> -> memref<2048xi32, #tpu.memory_space<hbm>>
    %dma_start3A_50 = tpu.memref_slice %arg10[%dma_start3A_43] : memref<2x!tpu.dma_semaphore, #tpu.memory_space<semaphore_mem>> -> memref<1x!tpu.dma_semaphore, #tpu.memory_space<semaphore_mem>>
    %dma_start3A_51 = tpu.memref_squeeze %dma_start3A_50 : memref<1x!tpu.dma_semaphore, #tpu.memory_space<semaphore_mem>> -> memref<!tpu.dma_semaphore, #tpu.memory_space<semaphore_mem>>
    %dma_start3A_52 = arith.constant 0 : i32
    %dma_start3A_53 = tpu.memref_slice %arg8[%dma_start3A_42, %dma_start3A_52] : memref<2x2048xi32, #tpu.memory_space<vmem>> -> memref<1x2048xi32, #tpu.memory_space<vmem>>
    %dma_start3A_54 = tpu.memref_squeeze %dma_start3A_53 : memref<1x2048xi32, #tpu.memory_space<vmem>> -> memref<2048xi32, #tpu.memory_space<vmem>>
    %dma_start3A_55 = arith.constant 0 : i32
    %dma_start3A_56 = tpu.memref_slice %arg3[%dma_start3A_41, %dma_start3A_55] : memref<160x2048xi32, #tpu.memory_space<hbm>> -> memref<1x2048xi32, #tpu.memory_space<hbm>>
    %dma_start3A_57 = tpu.memref_squeeze %dma_start3A_56 : memref<1x2048xi32, #tpu.memory_space<hbm>> -> memref<2048xi32, #tpu.memory_space<hbm>>
    tpu.enqueue_dma source(%dma_start3A_57 : memref<2048xi32, #tpu.memory_space<hbm>>) target(%dma_start3A_54 : memref<2048xi32, #tpu.memory_space<vmem>>) target_semaphore(%dma_start3A_51 : memref<!tpu.dma_semaphore, #tpu.memory_space<semaphore_mem>>)
    %dma_start3A_58 = arith.constant 1 : i32
    %dma_start3A_59 = arith.constant 1 : i32
    %dma_start3A_60 = arith.constant 1 : i32
    %dma_start3A_61 = arith.constant 0 : i32
    %dma_start3A_62 = tpu.memref_slice %arg9[%dma_start3A_59, %dma_start3A_61] : memref<2x2048xf32, #tpu.memory_space<vmem>> -> memref<1x2048xf32, #tpu.memory_space<vmem>>
    %dma_start3A_63 = tpu.memref_squeeze %dma_start3A_62 : memref<1x2048xf32, #tpu.memory_space<vmem>> -> memref<2048xf32, #tpu.memory_space<vmem>>
    %dma_start3A_64 = arith.constant 0 : i32
    %dma_start3A_65 = tpu.memref_slice %arg4[%dma_start3A_58, %dma_start3A_64] : memref<160x2048xf32, #tpu.memory_space<hbm>> -> memref<1x2048xf32, #tpu.memory_space<hbm>>
    %dma_start3A_66 = tpu.memref_squeeze %dma_start3A_65 : memref<1x2048xf32, #tpu.memory_space<hbm>> -> memref<2048xf32, #tpu.memory_space<hbm>>
    %dma_start3A_67 = tpu.memref_slice %arg10[%dma_start3A_60] : memref<2x!tpu.dma_semaphore, #tpu.memory_space<semaphore_mem>> -> memref<1x!tpu.dma_semaphore, #tpu.memory_space<semaphore_mem>>
    %dma_start3A_68 = tpu.memref_squeeze %dma_start3A_67 : memref<1x!tpu.dma_semaphore, #tpu.memory_space<semaphore_mem>> -> memref<!tpu.dma_semaphore, #tpu.memory_space<semaphore_mem>>
    %dma_start3A_69 = arith.constant 0 : i32
    %dma_start3A_70 = tpu.memref_slice %arg9[%dma_start3A_59, %dma_start3A_69] : memref<2x2048xf32, #tpu.memory_space<vmem>> -> memref<1x2048xf32, #tpu.memory_space<vmem>>
    %dma_start3A_71 = tpu.memref_squeeze %dma_start3A_70 : memref<1x2048xf32, #tpu.memory_space<vmem>> -> memref<2048xf32, #tpu.memory_space<vmem>>
    %dma_start3A_72 = arith.constant 0 : i32
    %dma_start3A_73 = tpu.memref_slice %arg4[%dma_start3A_58, %dma_start3A_72] : memref<160x2048xf32, #tpu.memory_space<hbm>> -> memref<1x2048xf32, #tpu.memory_space<hbm>>
    %dma_start3A_74 = tpu.memref_squeeze %dma_start3A_73 : memref<1x2048xf32, #tpu.memory_space<hbm>> -> memref<2048xf32, #tpu.memory_space<hbm>>
    tpu.enqueue_dma source(%dma_start3A_74 : memref<2048xf32, #tpu.memory_space<hbm>>) target(%dma_start3A_71 : memref<2048xf32, #tpu.memory_space<vmem>>) target_semaphore(%dma_start3A_68 : memref<!tpu.dma_semaphore, #tpu.memory_space<semaphore_mem>>)
    %scan3A_75 = arith.constant 0 : i32
    %scan3A_76 = arith.constant 0 : i32
    %scan3A_77 = arith.constant 80 : i32
    %scan3A_78 = arith.addi %scan3A_76, %scan3A_77 : i32
    %scan3A_79 = arith.constant 1 : i32
    scf.for %scan3A_83 = %scan3A_76 to %scan3A_78 step %scan3A_79  : i32 {
      %mul3A_84 = arith.constant 2 : i32
      %mul3A_85 = arith.muli %mul3A_84, %scan3A_83 : i32
      %dma_wait3A = arith.constant 0 : i32
      %dma_wait3A_86 = arith.constant 0 : i32
      %dma_wait3A_87 = arith.constant 0 : i32
      %dma_wait3A_88 = tpu.memref_slice %arg8[%dma_wait3A, %dma_wait3A_87] : memref<2x2048xi32, #tpu.memory_space<vmem>> -> memref<1x2048xi32, #tpu.memory_space<vmem>>
      %dma_wait3A_89 = tpu.memref_squeeze %dma_wait3A_88 : memref<1x2048xi32, #tpu.memory_space<vmem>> -> memref<2048xi32, #tpu.memory_space<vmem>>
      %dma_wait3A_90 = arith.constant 0 : i32
      %dma_wait3A_91 = tpu.memref_slice %arg3[%mul3A_85, %dma_wait3A_90] : memref<160x2048xi32, #tpu.memory_space<hbm>> -> memref<1x2048xi32, #tpu.memory_space<hbm>>
      %dma_wait3A_92 = tpu.memref_squeeze %dma_wait3A_91 : memref<1x2048xi32, #tpu.memory_space<hbm>> -> memref<2048xi32, #tpu.memory_space<hbm>>
      %dma_wait3A_93 = tpu.memref_slice %arg10[%dma_wait3A_86] : memref<2x!tpu.dma_semaphore, #tpu.memory_space<semaphore_mem>> -> memref<1x!tpu.dma_semaphore, #tpu.memory_space<semaphore_mem>>
      %dma_wait3A_94 = tpu.memref_squeeze %dma_wait3A_93 : memref<1x!tpu.dma_semaphore, #tpu.memory_space<semaphore_mem>> -> memref<!tpu.dma_semaphore, #tpu.memory_space<semaphore_mem>>
      %dma_wait3A_95 = arith.constant 0 : i32
      %dma_wait3A_96 = tpu.memref_slice %arg8[%dma_wait3A, %dma_wait3A_95] : memref<2x2048xi32, #tpu.memory_space<vmem>> -> memref<1x2048xi32, #tpu.memory_space<vmem>>
      %dma_wait3A_97 = tpu.memref_squeeze %dma_wait3A_96 : memref<1x2048xi32, #tpu.memory_space<vmem>> -> memref<2048xi32, #tpu.memory_space<vmem>>
      %dma_wait3A_98 = arith.constant 0 : i32
      %dma_wait3A_99 = tpu.memref_slice %arg3[%mul3A_85, %dma_wait3A_98] : memref<160x2048xi32, #tpu.memory_space<hbm>> -> memref<1x2048xi32, #tpu.memory_space<hbm>>
      %dma_wait3A_100 = tpu.memref_squeeze %dma_wait3A_99 : memref<1x2048xi32, #tpu.memory_space<hbm>> -> memref<2048xi32, #tpu.memory_space<hbm>>
      tpu.wait_dma2 semaphore(%dma_wait3A_94 : memref<!tpu.dma_semaphore, #tpu.memory_space<semaphore_mem>>) src(%dma_wait3A_100 : memref<2048xi32, #tpu.memory_space<hbm>>) dst(%dma_wait3A_97 : memref<2048xi32, #tpu.memory_space<vmem>>)
      %dma_wait3A_101 = arith.constant 0 : i32
      %dma_wait3A_102 = arith.constant 0 : i32
      %dma_wait3A_103 = arith.constant 0 : i32
      %dma_wait3A_104 = tpu.memref_slice %arg9[%dma_wait3A_101, %dma_wait3A_103] : memref<2x2048xf32, #tpu.memory_space<vmem>> -> memref<1x2048xf32, #tpu.memory_space<vmem>>
      %dma_wait3A_105 = tpu.memref_squeeze %dma_wait3A_104 : memref<1x2048xf32, #tpu.memory_space<vmem>> -> memref<2048xf32, #tpu.memory_space<vmem>>
      %dma_wait3A_106 = arith.constant 0 : i32
      %dma_wait3A_107 = tpu.memref_slice %arg4[%mul3A_85, %dma_wait3A_106] : memref<160x2048xf32, #tpu.memory_space<hbm>> -> memref<1x2048xf32, #tpu.memory_space<hbm>>
      %dma_wait3A_108 = tpu.memref_squeeze %dma_wait3A_107 : memref<1x2048xf32, #tpu.memory_space<hbm>> -> memref<2048xf32, #tpu.memory_space<hbm>>
      %dma_wait3A_109 = tpu.memref_slice %arg10[%dma_wait3A_102] : memref<2x!tpu.dma_semaphore, #tpu.memory_space<semaphore_mem>> -> memref<1x!tpu.dma_semaphore, #tpu.memory_space<semaphore_mem>>
      %dma_wait3A_110 = tpu.memref_squeeze %dma_wait3A_109 : memref<1x!tpu.dma_semaphore, #tpu.memory_space<semaphore_mem>> -> memref<!tpu.dma_semaphore, #tpu.memory_space<semaphore_mem>>
      %dma_wait3A_111 = arith.constant 0 : i32
      %dma_wait3A_112 = tpu.memref_slice %arg9[%dma_wait3A_101, %dma_wait3A_111] : memref<2x2048xf32, #tpu.memory_space<vmem>> -> memref<1x2048xf32, #tpu.memory_space<vmem>>
      %dma_wait3A_113 = tpu.memref_squeeze %dma_wait3A_112 : memref<1x2048xf32, #tpu.memory_space<vmem>> -> memref<2048xf32, #tpu.memory_space<vmem>>
      %dma_wait3A_114 = arith.constant 0 : i32
      %dma_wait3A_115 = tpu.memref_slice %arg4[%mul3A_85, %dma_wait3A_114] : memref<160x2048xf32, #tpu.memory_space<hbm>> -> memref<1x2048xf32, #tpu.memory_space<hbm>>
      %dma_wait3A_116 = tpu.memref_squeeze %dma_wait3A_115 : memref<1x2048xf32, #tpu.memory_space<hbm>> -> memref<2048xf32, #tpu.memory_space<hbm>>
      tpu.wait_dma2 semaphore(%dma_wait3A_110 : memref<!tpu.dma_semaphore, #tpu.memory_space<semaphore_mem>>) src(%dma_wait3A_116 : memref<2048xf32, #tpu.memory_space<hbm>>) dst(%dma_wait3A_113 : memref<2048xf32, #tpu.memory_space<vmem>>)
      %scan3A_117 = arith.constant 0 : i32
      %scan3A_118 = arith.constant 0 : i32
      %scan3A_119 = arith.constant 32 : i32
      %scan3A_120 = arith.addi %scan3A_118, %scan3A_119 : i32
      %scan3A_121 = arith.constant 1 : i32
      scf.for %scan3A_176 = %scan3A_118 to %scan3A_120 step %scan3A_121  : i32 {
        %mul3A_177 = arith.constant 4 : i32
        %mul3A_178 = arith.muli %mul3A_177, %scan3A_176 : i32
        %add3A_179 = arith.constant 0 : i32
        %add3A_180 = arith.addi %mul3A_178, %add3A_179 : i32
        %mul3A_181 = arith.constant 16 : i32
        %mul3A_182 = arith.muli %add3A_180, %mul3A_181 : i32
        %get3A = arith.index_cast %scan3A_117 : i32 to index
        %get3A_183 = arith.index_cast %mul3A_182 : i32 to index
        %get3A_184 = tpu.vector_load %arg8[%get3A, %get3A_183] {strides = array<i32>} : memref<2x2048xi32, #tpu.memory_space<vmem>>, vector<16xi32>,
        %and3A = arith.constant 65535 : i32
        %and3A_185 = vector.broadcast %and3A : i32 to vector<16xi32>
        %and3A_186 = arith.andi %get3A_184, %and3A_185 : vector<16xi32>
        %shift_right_logical3A = arith.constant 16 : i32
        %shift_right_logical3A_187 = vector.broadcast %shift_right_logical3A : i32 to vector<16xi32>
        %shift_right_logical3A_188 = arith.shrui %get3A_184, %shift_right_logical3A_187 : vector<16xi32>
        %get3A_189 = arith.index_cast %scan3A_117 : i32 to index
        %get3A_190 = arith.index_cast %mul3A_182 : i32 to index
        %get3A_191 = tpu.vector_load %arg9[%get3A_189, %get3A_190] {strides = array<i32>} : memref<2x2048xf32, #tpu.memory_space<vmem>>, vector<16xf32>,
        %gather3A = arith.constant 0 : i32
        %gather3A_192 = arith.constant 0 : i32
        %gather3A_193 = tpu.memref_slice %arg6[%gather3A, %gather3A_192] : memref<4x10240xf32, #tpu.memory_space<vmem>> -> memref<1x10240xf32, #tpu.memory_space<vmem>>
        %gather3A_194 = tpu.memref_squeeze %gather3A_193 : memref<1x10240xf32, #tpu.memory_space<vmem>> -> memref<10240xf32, #tpu.memory_space<vmem>>
        %gather3A_195 = tpu.vector_load_idx %gather3A_194[%and3A_186] : memref<10240xf32, #tpu.memory_space<vmem>>[vector<16xi32>], vector<16xf32>,
        %gather3A_196 = arith.constant 1 : i32
        %gather3A_197 = arith.constant 0 : i32
        %gather3A_198 = tpu.memref_slice %arg6[%gather3A_196, %gather3A_197] : memref<4x10240xf32, #tpu.memory_space<vmem>> -> memref<1x10240xf32, #tpu.memory_space<vmem>>
        %gather3A_199 = tpu.memref_squeeze %gather3A_198 : memref<1x10240xf32, #tpu.memory_space<vmem>> -> memref<10240xf32, #tpu.memory_space<vmem>>
        %gather3A_200 = tpu.vector_load_idx %gather3A_199[%and3A_186] : memref<10240xf32, #tpu.memory_space<vmem>>[vector<16xi32>], vector<16xf32>,
        %gather3A_201 = arith.constant 2 : i32
        %gather3A_202 = arith.constant 0 : i32
        %gather3A_203 = tpu.memref_slice %arg6[%gather3A_201, %gather3A_202] : memref<4x10240xf32, #tpu.memory_space<vmem>> -> memref<1x10240xf32, #tpu.memory_space<vmem>>
        %gather3A_204 = tpu.memref_squeeze %gather3A_203 : memref<1x10240xf32, #tpu.memory_space<vmem>> -> memref<10240xf32, #tpu.memory_space<vmem>>
        %gather3A_205 = tpu.vector_load_idx %gather3A_204[%and3A_186] : memref<10240xf32, #tpu.memory_space<vmem>>[vector<16xi32>], vector<16xf32>,
        %gather3A_206 = arith.constant 3 : i32
        %gather3A_207 = arith.constant 0 : i32
        %gather3A_208 = tpu.memref_slice %arg6[%gather3A_206, %gather3A_207] : memref<4x10240xf32, #tpu.memory_space<vmem>> -> memref<1x10240xf32, #tpu.memory_space<vmem>>
        %gather3A_209 = tpu.memref_squeeze %gather3A_208 : memref<1x10240xf32, #tpu.memory_space<vmem>> -> memref<10240xf32, #tpu.memory_space<vmem>>
        %gather3A_210 = tpu.vector_load_idx %gather3A_209[%and3A_186] : memref<10240xf32, #tpu.memory_space<vmem>>[vector<16xi32>], vector<16xf32>,
        %mul3A_211 = arith.mulf %gather3A_195, %get3A_191 : vector<16xf32>
        %mul3A_212 = arith.mulf %gather3A_200, %get3A_191 : vector<16xf32>
        %mul3A_213 = arith.mulf %gather3A_205, %get3A_191 : vector<16xf32>
        %mul3A_214 = arith.mulf %gather3A_210, %get3A_191 : vector<16xf32>
        %mul3A_215 = arith.constant 4 : i32
        %mul3A_216 = arith.muli %mul3A_215, %scan3A_176 : i32
        %add3A_217 = arith.constant 1 : i32
        %add3A_218 = arith.addi %mul3A_216, %add3A_217 : i32
        %mul3A_219 = arith.constant 16 : i32
        %mul3A_220 = arith.muli %add3A_218, %mul3A_219 : i32
        %get3A_221 = arith.index_cast %scan3A_117 : i32 to index
        %get3A_222 = arith.index_cast %mul3A_220 : i32 to index
        %get3A_223 = tpu.vector_load %arg8[%get3A_221, %get3A_222] {strides = array<i32>} : memref<2x2048xi32, #tpu.memory_space<vmem>>, vector<16xi32>,
        %and3A_224 = arith.constant 65535 : i32
        %and3A_225 = vector.broadcast %and3A_224 : i32 to vector<16xi32>
        %and3A_226 = arith.andi %get3A_223, %and3A_225 : vector<16xi32>
        %shift_right_logical3A_227 = arith.constant 16 : i32
        %shift_right_logical3A_228 = vector.broadcast %shift_right_logical3A_227 : i32 to vector<16xi32>
        %shift_right_logical3A_229 = arith.shrui %get3A_223, %shift_right_logical3A_228 : vector<16xi32>
        %get3A_230 = arith.index_cast %scan3A_117 : i32 to index
        %get3A_231 = arith.index_cast %mul3A_220 : i32 to index
        %get3A_232 = tpu.vector_load %arg9[%get3A_230, %get3A_231] {strides = array<i32>} : memref<2x2048xf32, #tpu.memory_space<vmem>>, vector<16xf32>,
        %gather3A_233 = arith.constant 0 : i32
        %gather3A_234 = arith.constant 0 : i32
        %gather3A_235 = tpu.memref_slice %arg6[%gather3A_233, %gather3A_234] : memref<4x10240xf32, #tpu.memory_space<vmem>> -> memref<1x10240xf32, #tpu.memory_space<vmem>>
        %gather3A_236 = tpu.memref_squeeze %gather3A_235 : memref<1x10240xf32, #tpu.memory_space<vmem>> -> memref<10240xf32, #tpu.memory_space<vmem>>
        %gather3A_237 = tpu.vector_load_idx %gather3A_236[%and3A_226] : memref<10240xf32, #tpu.memory_space<vmem>>[vector<16xi32>], vector<16xf32>,
        %gather3A_238 = arith.constant 1 : i32
        %gather3A_239 = arith.constant 0 : i32
        %gather3A_240 = tpu.memref_slice %arg6[%gather3A_238, %gather3A_239] : memref<4x10240xf32, #tpu.memory_space<vmem>> -> memref<1x10240xf32, #tpu.memory_space<vmem>>
        %gather3A_241 = tpu.memref_squeeze %gather3A_240 : memref<1x10240xf32, #tpu.memory_space<vmem>> -> memref<10240xf32, #tpu.memory_space<vmem>>
        %gather3A_242 = tpu.vector_load_idx %gather3A_241[%and3A_226] : memref<10240xf32, #tpu.memory_space<vmem>>[vector<16xi32>], vector<16xf32>,
        %gather3A_243 = arith.constant 2 : i32
        %gather3A_244 = arith.constant 0 : i32
        %gather3A_245 = tpu.memref_slice %arg6[%gather3A_243, %gather3A_244] : memref<4x10240xf32, #tpu.memory_space<vmem>> -> memref<1x10240xf32, #tpu.memory_space<vmem>>
        %gather3A_246 = tpu.memref_squeeze %gather3A_245 : memref<1x10240xf32, #tpu.memory_space<vmem>> -> memref<10240xf32, #tpu.memory_space<vmem>>
        %gather3A_247 = tpu.vector_load_idx %gather3A_246[%and3A_226] : memref<10240xf32, #tpu.memory_space<vmem>>[vector<16xi32>], vector<16xf32>,
        %gather3A_248 = arith.constant 3 : i32
        %gather3A_249 = arith.constant 0 : i32
        %gather3A_250 = tpu.memref_slice %arg6[%gather3A_248, %gather3A_249] : memref<4x10240xf32, #tpu.memory_space<vmem>> -> memref<1x10240xf32, #tpu.memory_space<vmem>>
        %gather3A_251 = tpu.memref_squeeze %gather3A_250 : memref<1x10240xf32, #tpu.memory_space<vmem>> -> memref<10240xf32, #tpu.memory_space<vmem>>
        %gather3A_252 = tpu.vector_load_idx %gather3A_251[%and3A_226] : memref<10240xf32, #tpu.memory_space<vmem>>[vector<16xi32>], vector<16xf32>,
        %mul3A_253 = arith.mulf %gather3A_237, %get3A_232 : vector<16xf32>
        %mul3A_254 = arith.mulf %gather3A_242, %get3A_232 : vector<16xf32>
        %mul3A_255 = arith.mulf %gather3A_247, %get3A_232 : vector<16xf32>
        %mul3A_256 = arith.mulf %gather3A_252, %get3A_232 : vector<16xf32>
        %mul3A_257 = arith.constant 4 : i32
        %mul3A_258 = arith.muli %mul3A_257, %scan3A_176 : i32
        %add3A_259 = arith.constant 2 : i32
        %add3A_260 = arith.addi %mul3A_258, %add3A_259 : i32
        %mul3A_261 = arith.constant 16 : i32
        %mul3A_262 = arith.muli %add3A_260, %mul3A_261 : i32
        %get3A_263 = arith.index_cast %scan3A_117 : i32 to index
        %get3A_264 = arith.index_cast %mul3A_262 : i32 to index
        %get3A_265 = tpu.vector_load %arg8[%get3A_263, %get3A_264] {strides = array<i32>} : memref<2x2048xi32, #tpu.memory_space<vmem>>, vector<16xi32>,
        %and3A_266 = arith.constant 65535 : i32
        %and3A_267 = vector.broadcast %and3A_266 : i32 to vector<16xi32>
        %and3A_268 = arith.andi %get3A_265, %and3A_267 : vector<16xi32>
        %shift_right_logical3A_269 = arith.constant 16 : i32
        %shift_right_logical3A_270 = vector.broadcast %shift_right_logical3A_269 : i32 to vector<16xi32>
        %shift_right_logical3A_271 = arith.shrui %get3A_265, %shift_right_logical3A_270 : vector<16xi32>
        %get3A_272 = arith.index_cast %scan3A_117 : i32 to index
        %get3A_273 = arith.index_cast %mul3A_262 : i32 to index
        %get3A_274 = tpu.vector_load %arg9[%get3A_272, %get3A_273] {strides = array<i32>} : memref<2x2048xf32, #tpu.memory_space<vmem>>, vector<16xf32>,
        %gather3A_275 = arith.constant 0 : i32
        %gather3A_276 = arith.constant 0 : i32
        %gather3A_277 = tpu.memref_slice %arg6[%gather3A_275, %gather3A_276] : memref<4x10240xf32, #tpu.memory_space<vmem>> -> memref<1x10240xf32, #tpu.memory_space<vmem>>
        %gather3A_278 = tpu.memref_squeeze %gather3A_277 : memref<1x10240xf32, #tpu.memory_space<vmem>> -> memref<10240xf32, #tpu.memory_space<vmem>>
        %gather3A_279 = tpu.vector_load_idx %gather3A_278[%and3A_268] : memref<10240xf32, #tpu.memory_space<vmem>>[vector<16xi32>], vector<16xf32>,
        %gather3A_280 = arith.constant 1 : i32
        %gather3A_281 = arith.constant 0 : i32
        %gather3A_282 = tpu.memref_slice %arg6[%gather3A_280, %gather3A_281] : memref<4x10240xf32, #tpu.memory_space<vmem>> -> memref<1x10240xf32, #tpu.memory_space<vmem>>
        %gather3A_283 = tpu.memref_squeeze %gather3A_282 : memref<1x10240xf32, #tpu.memory_space<vmem>> -> memref<10240xf32, #tpu.memory_space<vmem>>
        %gather3A_284 = tpu.vector_load_idx %gather3A_283[%and3A_268] : memref<10240xf32, #tpu.memory_space<vmem>>[vector<16xi32>], vector<16xf32>,
        %gather3A_285 = arith.constant 2 : i32
        %gather3A_286 = arith.constant 0 : i32
        %gather3A_287 = tpu.memref_slice %arg6[%gather3A_285, %gather3A_286] : memref<4x10240xf32, #tpu.memory_space<vmem>> -> memref<1x10240xf32, #tpu.memory_space<vmem>>
        %gather3A_288 = tpu.memref_squeeze %gather3A_287 : memref<1x10240xf32, #tpu.memory_space<vmem>> -> memref<10240xf32, #tpu.memory_space<vmem>>
        %gather3A_289 = tpu.vector_load_idx %gather3A_288[%and3A_268] : memref<10240xf32, #tpu.memory_space<vmem>>[vector<16xi32>], vector<16xf32>,
        %gather3A_290 = arith.constant 3 : i32
        %gather3A_291 = arith.constant 0 : i32
        %gather3A_292 = tpu.memref_slice %arg6[%gather3A_290, %gather3A_291] : memref<4x10240xf32, #tpu.memory_space<vmem>> -> memref<1x10240xf32, #tpu.memory_space<vmem>>
        %gather3A_293 = tpu.memref_squeeze %gather3A_292 : memref<1x10240xf32, #tpu.memory_space<vmem>> -> memref<10240xf32, #tpu.memory_space<vmem>>
        %gather3A_294 = tpu.vector_load_idx %gather3A_293[%and3A_268] : memref<10240xf32, #tpu.memory_space<vmem>>[vector<16xi32>], vector<16xf32>,
        %mul3A_295 = arith.mulf %gather3A_279, %get3A_274 : vector<16xf32>
        %mul3A_296 = arith.mulf %gather3A_284, %get3A_274 : vector<16xf32>
        %mul3A_297 = arith.mulf %gather3A_289, %get3A_274 : vector<16xf32>
        %mul3A_298 = arith.mulf %gather3A_294, %get3A_274 : vector<16xf32>
        %mul3A_299 = arith.constant 4 : i32
        %mul3A_300 = arith.muli %mul3A_299, %scan3A_176 : i32
        %add3A_301 = arith.constant 3 : i32
        %add3A_302 = arith.addi %mul3A_300, %add3A_301 : i32
        %mul3A_303 = arith.constant 16 : i32
        %mul3A_304 = arith.muli %add3A_302, %mul3A_303 : i32
        %get3A_305 = arith.index_cast %scan3A_117 : i32 to index
        %get3A_306 = arith.index_cast %mul3A_304 : i32 to index
        %get3A_307 = tpu.vector_load %arg8[%get3A_305, %get3A_306] {strides = array<i32>} : memref<2x2048xi32, #tpu.memory_space<vmem>>, vector<16xi32>,
        %and3A_308 = arith.constant 65535 : i32
        %and3A_309 = vector.broadcast %and3A_308 : i32 to vector<16xi32>
        %and3A_310 = arith.andi %get3A_307, %and3A_309 : vector<16xi32>
        %shift_right_logical3A_311 = arith.constant 16 : i32
        %shift_right_logical3A_312 = vector.broadcast %shift_right_logical3A_311 : i32 to vector<16xi32>
        %shift_right_logical3A_313 = arith.shrui %get3A_307, %shift_right_logical3A_312 : vector<16xi32>
        %get3A_314 = arith.index_cast %scan3A_117 : i32 to index
        %get3A_315 = arith.index_cast %mul3A_304 : i32 to index
        %get3A_316 = tpu.vector_load %arg9[%get3A_314, %get3A_315] {strides = array<i32>} : memref<2x2048xf32, #tpu.memory_space<vmem>>, vector<16xf32>,
        %gather3A_317 = arith.constant 0 : i32
        %gather3A_318 = arith.constant 0 : i32
        %gather3A_319 = tpu.memref_slice %arg6[%gather3A_317, %gather3A_318] : memref<4x10240xf32, #tpu.memory_space<vmem>> -> memref<1x10240xf32, #tpu.memory_space<vmem>>
        %gather3A_320 = tpu.memref_squeeze %gather3A_319 : memref<1x10240xf32, #tpu.memory_space<vmem>> -> memref<10240xf32, #tpu.memory_space<vmem>>
        %gather3A_321 = tpu.vector_load_idx %gather3A_320[%and3A_310] : memref<10240xf32, #tpu.memory_space<vmem>>[vector<16xi32>], vector<16xf32>,
        %gather3A_322 = arith.constant 1 : i32
        %gather3A_323 = arith.constant 0 : i32
        %gather3A_324 = tpu.memref_slice %arg6[%gather3A_322, %gather3A_323] : memref<4x10240xf32, #tpu.memory_space<vmem>> -> memref<1x10240xf32, #tpu.memory_space<vmem>>
        %gather3A_325 = tpu.memref_squeeze %gather3A_324 : memref<1x10240xf32, #tpu.memory_space<vmem>> -> memref<10240xf32, #tpu.memory_space<vmem>>
        %gather3A_326 = tpu.vector_load_idx %gather3A_325[%and3A_310] : memref<10240xf32, #tpu.memory_space<vmem>>[vector<16xi32>], vector<16xf32>,
        %gather3A_327 = arith.constant 2 : i32
        %gather3A_328 = arith.constant 0 : i32
        %gather3A_329 = tpu.memref_slice %arg6[%gather3A_327, %gather3A_328] : memref<4x10240xf32, #tpu.memory_space<vmem>> -> memref<1x10240xf32, #tpu.memory_space<vmem>>
        %gather3A_330 = tpu.memref_squeeze %gather3A_329 : memref<1x10240xf32, #tpu.memory_space<vmem>> -> memref<10240xf32, #tpu.memory_space<vmem>>
        %gather3A_331 = tpu.vector_load_idx %gather3A_330[%and3A_310] : memref<10240xf32, #tpu.memory_space<vmem>>[vector<16xi32>], vector<16xf32>,
        %gather3A_332 = arith.constant 3 : i32
        %gather3A_333 = arith.constant 0 : i32
        %gather3A_334 = tpu.memref_slice %arg6[%gather3A_332, %gather3A_333] : memref<4x10240xf32, #tpu.memory_space<vmem>> -> memref<1x10240xf32, #tpu.memory_space<vmem>>
        %gather3A_335 = tpu.memref_squeeze %gather3A_334 : memref<1x10240xf32, #tpu.memory_space<vmem>> -> memref<10240xf32, #tpu.memory_space<vmem>>
        %gather3A_336 = tpu.vector_load_idx %gather3A_335[%and3A_310] : memref<10240xf32, #tpu.memory_space<vmem>>[vector<16xi32>], vector<16xf32>,
        %mul3A_337 = arith.mulf %gather3A_321, %get3A_316 : vector<16xf32>
        %mul3A_338 = arith.mulf %gather3A_326, %get3A_316 : vector<16xf32>
        %mul3A_339 = arith.mulf %gather3A_331, %get3A_316 : vector<16xf32>
        %mul3A_340 = arith.mulf %gather3A_336, %get3A_316 : vector<16xf32>
        %scatter3A = arith.constant 0 : i32
        %scatter3A_341 = arith.constant 0 : i32
        %scatter3A_342 = tpu.memref_slice %arg7[%scatter3A, %scatter3A_341] : memref<4x10240xf32, #tpu.memory_space<vmem>> -> memref<1x10240xf32, #tpu.memory_space<vmem>>
        %scatter3A_343 = tpu.memref_squeeze %scatter3A_342 : memref<1x10240xf32, #tpu.memory_space<vmem>> -> memref<10240xf32, #tpu.memory_space<vmem>>
        tpu.vector_store_idx %scatter3A_343[%shift_right_logical3A_188], %mul3A_211 {add = true} : memref<10240xf32, #tpu.memory_space<vmem>>[vector<16xi32>], vector<16xf32>,
        %scatter3A_344 = arith.constant 1 : i32
        %scatter3A_345 = arith.constant 0 : i32
        %scatter3A_346 = tpu.memref_slice %arg7[%scatter3A_344, %scatter3A_345] : memref<4x10240xf32, #tpu.memory_space<vmem>> -> memref<1x10240xf32, #tpu.memory_space<vmem>>
        %scatter3A_347 = tpu.memref_squeeze %scatter3A_346 : memref<1x10240xf32, #tpu.memory_space<vmem>> -> memref<10240xf32, #tpu.memory_space<vmem>>
        tpu.vector_store_idx %scatter3A_347[%shift_right_logical3A_188], %mul3A_212 {add = true} : memref<10240xf32, #tpu.memory_space<vmem>>[vector<16xi32>], vector<16xf32>,
        %scatter3A_348 = arith.constant 2 : i32
        %scatter3A_349 = arith.constant 0 : i32
        %scatter3A_350 = tpu.memref_slice %arg7[%scatter3A_348, %scatter3A_349] : memref<4x10240xf32, #tpu.memory_space<vmem>> -> memref<1x10240xf32, #tpu.memory_space<vmem>>
        %scatter3A_351 = tpu.memref_squeeze %scatter3A_350 : memref<1x10240xf32, #tpu.memory_space<vmem>> -> memref<10240xf32, #tpu.memory_space<vmem>>
        tpu.vector_store_idx %scatter3A_351[%shift_right_logical3A_188], %mul3A_213 {add = true} : memref<10240xf32, #tpu.memory_space<vmem>>[vector<16xi32>], vector<16xf32>,
        %scatter3A_352 = arith.constant 3 : i32
        %scatter3A_353 = arith.constant 0 : i32
        %scatter3A_354 = tpu.memref_slice %arg7[%scatter3A_352, %scatter3A_353] : memref<4x10240xf32, #tpu.memory_space<vmem>> -> memref<1x10240xf32, #tpu.memory_space<vmem>>
        %scatter3A_355 = tpu.memref_squeeze %scatter3A_354 : memref<1x10240xf32, #tpu.memory_space<vmem>> -> memref<10240xf32, #tpu.memory_space<vmem>>
        tpu.vector_store_idx %scatter3A_355[%shift_right_logical3A_188], %mul3A_214 {add = true} : memref<10240xf32, #tpu.memory_space<vmem>>[vector<16xi32>], vector<16xf32>,
        %scatter3A_356 = arith.constant 0 : i32
        %scatter3A_357 = arith.constant 0 : i32
        %scatter3A_358 = tpu.memref_slice %arg7[%scatter3A_356, %scatter3A_357] : memref<4x10240xf32, #tpu.memory_space<vmem>> -> memref<1x10240xf32, #tpu.memory_space<vmem>>
        %scatter3A_359 = tpu.memref_squeeze %scatter3A_358 : memref<1x10240xf32, #tpu.memory_space<vmem>> -> memref<10240xf32, #tpu.memory_space<vmem>>
        tpu.vector_store_idx %scatter3A_359[%shift_right_logical3A_229], %mul3A_253 {add = true} : memref<10240xf32, #tpu.memory_space<vmem>>[vector<16xi32>], vector<16xf32>,
        %scatter3A_360 = arith.constant 1 : i32
        %scatter3A_361 = arith.constant 0 : i32
        %scatter3A_362 = tpu.memref_slice %arg7[%scatter3A_360, %scatter3A_361] : memref<4x10240xf32, #tpu.memory_space<vmem>> -> memref<1x10240xf32, #tpu.memory_space<vmem>>
        %scatter3A_363 = tpu.memref_squeeze %scatter3A_362 : memref<1x10240xf32, #tpu.memory_space<vmem>> -> memref<10240xf32, #tpu.memory_space<vmem>>
        tpu.vector_store_idx %scatter3A_363[%shift_right_logical3A_229], %mul3A_254 {add = true} : memref<10240xf32, #tpu.memory_space<vmem>>[vector<16xi32>], vector<16xf32>,
        %scatter3A_364 = arith.constant 2 : i32
        %scatter3A_365 = arith.constant 0 : i32
        %scatter3A_366 = tpu.memref_slice %arg7[%scatter3A_364, %scatter3A_365] : memref<4x10240xf32, #tpu.memory_space<vmem>> -> memref<1x10240xf32, #tpu.memory_space<vmem>>
        %scatter3A_367 = tpu.memref_squeeze %scatter3A_366 : memref<1x10240xf32, #tpu.memory_space<vmem>> -> memref<10240xf32, #tpu.memory_space<vmem>>
        tpu.vector_store_idx %scatter3A_367[%shift_right_logical3A_229], %mul3A_255 {add = true} : memref<10240xf32, #tpu.memory_space<vmem>>[vector<16xi32>], vector<16xf32>,
        %scatter3A_368 = arith.constant 3 : i32
        %scatter3A_369 = arith.constant 0 : i32
        %scatter3A_370 = tpu.memref_slice %arg7[%scatter3A_368, %scatter3A_369] : memref<4x10240xf32, #tpu.memory_space<vmem>> -> memref<1x10240xf32, #tpu.memory_space<vmem>>
        %scatter3A_371 = tpu.memref_squeeze %scatter3A_370 : memref<1x10240xf32, #tpu.memory_space<vmem>> -> memref<10240xf32, #tpu.memory_space<vmem>>
        tpu.vector_store_idx %scatter3A_371[%shift_right_logical3A_229], %mul3A_256 {add = true} : memref<10240xf32, #tpu.memory_space<vmem>>[vector<16xi32>], vector<16xf32>,
        %scatter3A_372 = arith.constant 0 : i32
        %scatter3A_373 = arith.constant 0 : i32
        %scatter3A_374 = tpu.memref_slice %arg7[%scatter3A_372, %scatter3A_373] : memref<4x10240xf32, #tpu.memory_space<vmem>> -> memref<1x10240xf32, #tpu.memory_space<vmem>>
        %scatter3A_375 = tpu.memref_squeeze %scatter3A_374 : memref<1x10240xf32, #tpu.memory_space<vmem>> -> memref<10240xf32, #tpu.memory_space<vmem>>
        tpu.vector_store_idx %scatter3A_375[%shift_right_logical3A_271], %mul3A_295 {add = true} : memref<10240xf32, #tpu.memory_space<vmem>>[vector<16xi32>], vector<16xf32>,
        %scatter3A_376 = arith.constant 1 : i32
        %scatter3A_377 = arith.constant 0 : i32
        %scatter3A_378 = tpu.memref_slice %arg7[%scatter3A_376, %scatter3A_377] : memref<4x10240xf32, #tpu.memory_space<vmem>> -> memref<1x10240xf32, #tpu.memory_space<vmem>>
        %scatter3A_379 = tpu.memref_squeeze %scatter3A_378 : memref<1x10240xf32, #tpu.memory_space<vmem>> -> memref<10240xf32, #tpu.memory_space<vmem>>
        tpu.vector_store_idx %scatter3A_379[%shift_right_logical3A_271], %mul3A_296 {add = true} : memref<10240xf32, #tpu.memory_space<vmem>>[vector<16xi32>], vector<16xf32>,
        %scatter3A_380 = arith.constant 2 : i32
        %scatter3A_381 = arith.constant 0 : i32
        %scatter3A_382 = tpu.memref_slice %arg7[%scatter3A_380, %scatter3A_381] : memref<4x10240xf32, #tpu.memory_space<vmem>> -> memref<1x10240xf32, #tpu.memory_space<vmem>>
        %scatter3A_383 = tpu.memref_squeeze %scatter3A_382 : memref<1x10240xf32, #tpu.memory_space<vmem>> -> memref<10240xf32, #tpu.memory_space<vmem>>
        tpu.vector_store_idx %scatter3A_383[%shift_right_logical3A_271], %mul3A_297 {add = true} : memref<10240xf32, #tpu.memory_space<vmem>>[vector<16xi32>], vector<16xf32>,
        %scatter3A_384 = arith.constant 3 : i32
        %scatter3A_385 = arith.constant 0 : i32
        %scatter3A_386 = tpu.memref_slice %arg7[%scatter3A_384, %scatter3A_385] : memref<4x10240xf32, #tpu.memory_space<vmem>> -> memref<1x10240xf32, #tpu.memory_space<vmem>>
        %scatter3A_387 = tpu.memref_squeeze %scatter3A_386 : memref<1x10240xf32, #tpu.memory_space<vmem>> -> memref<10240xf32, #tpu.memory_space<vmem>>
        tpu.vector_store_idx %scatter3A_387[%shift_right_logical3A_271], %mul3A_298 {add = true} : memref<10240xf32, #tpu.memory_space<vmem>>[vector<16xi32>], vector<16xf32>,
        %scatter3A_388 = arith.constant 0 : i32
        %scatter3A_389 = arith.constant 0 : i32
        %scatter3A_390 = tpu.memref_slice %arg7[%scatter3A_388, %scatter3A_389] : memref<4x10240xf32, #tpu.memory_space<vmem>> -> memref<1x10240xf32, #tpu.memory_space<vmem>>
        %scatter3A_391 = tpu.memref_squeeze %scatter3A_390 : memref<1x10240xf32, #tpu.memory_space<vmem>> -> memref<10240xf32, #tpu.memory_space<vmem>>
        tpu.vector_store_idx %scatter3A_391[%shift_right_logical3A_313], %mul3A_337 {add = true} : memref<10240xf32, #tpu.memory_space<vmem>>[vector<16xi32>], vector<16xf32>,
        %scatter3A_392 = arith.constant 1 : i32
        %scatter3A_393 = arith.constant 0 : i32
        %scatter3A_394 = tpu.memref_slice %arg7[%scatter3A_392, %scatter3A_393] : memref<4x10240xf32, #tpu.memory_space<vmem>> -> memref<1x10240xf32, #tpu.memory_space<vmem>>
        %scatter3A_395 = tpu.memref_squeeze %scatter3A_394 : memref<1x10240xf32, #tpu.memory_space<vmem>> -> memref<10240xf32, #tpu.memory_space<vmem>>
        tpu.vector_store_idx %scatter3A_395[%shift_right_logical3A_313], %mul3A_338 {add = true} : memref<10240xf32, #tpu.memory_space<vmem>>[vector<16xi32>], vector<16xf32>,
        %scatter3A_396 = arith.constant 2 : i32
        %scatter3A_397 = arith.constant 0 : i32
        %scatter3A_398 = tpu.memref_slice %arg7[%scatter3A_396, %scatter3A_397] : memref<4x10240xf32, #tpu.memory_space<vmem>> -> memref<1x10240xf32, #tpu.memory_space<vmem>>
        %scatter3A_399 = tpu.memref_squeeze %scatter3A_398 : memref<1x10240xf32, #tpu.memory_space<vmem>> -> memref<10240xf32, #tpu.memory_space<vmem>>
        tpu.vector_store_idx %scatter3A_399[%shift_right_logical3A_313], %mul3A_339 {add = true} : memref<10240xf32, #tpu.memory_space<vmem>>[vector<16xi32>], vector<16xf32>,
        %scatter3A_400 = arith.constant 3 : i32
        %scatter3A_401 = arith.constant 0 : i32
        %scatter3A_402 = tpu.memref_slice %arg7[%scatter3A_400, %scatter3A_401] : memref<4x10240xf32, #tpu.memory_space<vmem>> -> memref<1x10240xf32, #tpu.memory_space<vmem>>
        %scatter3A_403 = tpu.memref_squeeze %scatter3A_402 : memref<1x10240xf32, #tpu.memory_space<vmem>> -> memref<10240xf32, #tpu.memory_space<vmem>>
        tpu.vector_store_idx %scatter3A_403[%shift_right_logical3A_313], %mul3A_340 {add = true} : memref<10240xf32, #tpu.memory_space<vmem>>[vector<16xi32>], vector<16xf32>,
      }
      %scan3A_122 = arith.constant 32 : i32
      %add3A_123 = arith.constant 2 : i32
      %add3A_124 = arith.addi %mul3A_85, %add3A_123 : i32
      %lt3A = arith.constant 160 : i32
      %lt3A_125 = arith.cmpi slt, %add3A_124, %lt3A : i32
      %convert_element_type3A = arith.extui %lt3A_125 : i1 to i32
      %cond3A = arith.constant 0 : i32
      %cond3A_126 = arith.cmpi ne, %convert_element_type3A, %cond3A : i32
      scf.if %cond3A_126 {
        %add3A_176 = arith.constant 2 : i32
        %add3A_177 = arith.addi %mul3A_85, %add3A_176 : i32
        %dma_start3A_178 = arith.constant 0 : i32
        %dma_start3A_179 = arith.constant 0 : i32
        %dma_start3A_180 = arith.constant 0 : i32
        %dma_start3A_181 = tpu.memref_slice %arg8[%dma_start3A_178, %dma_start3A_180] : memref<2x2048xi32, #tpu.memory_space<vmem>> -> memref<1x2048xi32, #tpu.memory_space<vmem>>
        %dma_start3A_182 = tpu.memref_squeeze %dma_start3A_181 : memref<1x2048xi32, #tpu.memory_space<vmem>> -> memref<2048xi32, #tpu.memory_space<vmem>>
        %dma_start3A_183 = arith.constant 0 : i32
        %dma_start3A_184 = tpu.memref_slice %arg3[%add3A_177, %dma_start3A_183] : memref<160x2048xi32, #tpu.memory_space<hbm>> -> memref<1x2048xi32, #tpu.memory_space<hbm>>
        %dma_start3A_185 = tpu.memref_squeeze %dma_start3A_184 : memref<1x2048xi32, #tpu.memory_space<hbm>> -> memref<2048xi32, #tpu.memory_space<hbm>>
        %dma_start3A_186 = tpu.memref_slice %arg10[%dma_start3A_179] : memref<2x!tpu.dma_semaphore, #tpu.memory_space<semaphore_mem>> -> memref<1x!tpu.dma_semaphore, #tpu.memory_space<semaphore_mem>>
        %dma_start3A_187 = tpu.memref_squeeze %dma_start3A_186 : memref<1x!tpu.dma_semaphore, #tpu.memory_space<semaphore_mem>> -> memref<!tpu.dma_semaphore, #tpu.memory_space<semaphore_mem>>
        %dma_start3A_188 = arith.constant 0 : i32
        %dma_start3A_189 = tpu.memref_slice %arg8[%dma_start3A_178, %dma_start3A_188] : memref<2x2048xi32, #tpu.memory_space<vmem>> -> memref<1x2048xi32, #tpu.memory_space<vmem>>
        %dma_start3A_190 = tpu.memref_squeeze %dma_start3A_189 : memref<1x2048xi32, #tpu.memory_space<vmem>> -> memref<2048xi32, #tpu.memory_space<vmem>>
        %dma_start3A_191 = arith.constant 0 : i32
        %dma_start3A_192 = tpu.memref_slice %arg3[%add3A_177, %dma_start3A_191] : memref<160x2048xi32, #tpu.memory_space<hbm>> -> memref<1x2048xi32, #tpu.memory_space<hbm>>
        %dma_start3A_193 = tpu.memref_squeeze %dma_start3A_192 : memref<1x2048xi32, #tpu.memory_space<hbm>> -> memref<2048xi32, #tpu.memory_space<hbm>>
        tpu.enqueue_dma source(%dma_start3A_193 : memref<2048xi32, #tpu.memory_space<hbm>>) target(%dma_start3A_190 : memref<2048xi32, #tpu.memory_space<vmem>>) target_semaphore(%dma_start3A_187 : memref<!tpu.dma_semaphore, #tpu.memory_space<semaphore_mem>>)
        %dma_start3A_194 = arith.constant 0 : i32
        %dma_start3A_195 = arith.constant 0 : i32
        %dma_start3A_196 = arith.constant 0 : i32
        %dma_start3A_197 = tpu.memref_slice %arg9[%dma_start3A_194, %dma_start3A_196] : memref<2x2048xf32, #tpu.memory_space<vmem>> -> memref<1x2048xf32, #tpu.memory_space<vmem>>
        %dma_start3A_198 = tpu.memref_squeeze %dma_start3A_197 : memref<1x2048xf32, #tpu.memory_space<vmem>> -> memref<2048xf32, #tpu.memory_space<vmem>>
        %dma_start3A_199 = arith.constant 0 : i32
        %dma_start3A_200 = tpu.memref_slice %arg4[%add3A_177, %dma_start3A_199] : memref<160x2048xf32, #tpu.memory_space<hbm>> -> memref<1x2048xf32, #tpu.memory_space<hbm>>
        %dma_start3A_201 = tpu.memref_squeeze %dma_start3A_200 : memref<1x2048xf32, #tpu.memory_space<hbm>> -> memref<2048xf32, #tpu.memory_space<hbm>>
        %dma_start3A_202 = tpu.memref_slice %arg10[%dma_start3A_195] : memref<2x!tpu.dma_semaphore, #tpu.memory_space<semaphore_mem>> -> memref<1x!tpu.dma_semaphore, #tpu.memory_space<semaphore_mem>>
        %dma_start3A_203 = tpu.memref_squeeze %dma_start3A_202 : memref<1x!tpu.dma_semaphore, #tpu.memory_space<semaphore_mem>> -> memref<!tpu.dma_semaphore, #tpu.memory_space<semaphore_mem>>
        %dma_start3A_204 = arith.constant 0 : i32
        %dma_start3A_205 = tpu.memref_slice %arg9[%dma_start3A_194, %dma_start3A_204] : memref<2x2048xf32, #tpu.memory_space<vmem>> -> memref<1x2048xf32, #tpu.memory_space<vmem>>
        %dma_start3A_206 = tpu.memref_squeeze %dma_start3A_205 : memref<1x2048xf32, #tpu.memory_space<vmem>> -> memref<2048xf32, #tpu.memory_space<vmem>>
        %dma_start3A_207 = arith.constant 0 : i32
        %dma_start3A_208 = tpu.memref_slice %arg4[%add3A_177, %dma_start3A_207] : memref<160x2048xf32, #tpu.memory_space<hbm>> -> memref<1x2048xf32, #tpu.memory_space<hbm>>
        %dma_start3A_209 = tpu.memref_squeeze %dma_start3A_208 : memref<1x2048xf32, #tpu.memory_space<hbm>> -> memref<2048xf32, #tpu.memory_space<hbm>>
        tpu.enqueue_dma source(%dma_start3A_209 : memref<2048xf32, #tpu.memory_space<hbm>>) target(%dma_start3A_206 : memref<2048xf32, #tpu.memory_space<vmem>>) target_semaphore(%dma_start3A_203 : memref<!tpu.dma_semaphore, #tpu.memory_space<semaphore_mem>>)
      } else {
      }
      %mul3A_127 = arith.constant 2 : i32
      %mul3A_128 = arith.muli %mul3A_127, %scan3A_83 : i32
      %add3A_129 = arith.constant 1 : i32
      %add3A_130 = arith.addi %mul3A_128, %add3A_129 : i32
      %dma_wait3A_131 = arith.constant 1 : i32
      %dma_wait3A_132 = arith.constant 1 : i32
      %dma_wait3A_133 = arith.constant 0 : i32
      %dma_wait3A_134 = tpu.memref_slice %arg8[%dma_wait3A_131, %dma_wait3A_133] : memref<2x2048xi32, #tpu.memory_space<vmem>> -> memref<1x2048xi32, #tpu.memory_space<vmem>>
      %dma_wait3A_135 = tpu.memref_squeeze %dma_wait3A_134 : memref<1x2048xi32, #tpu.memory_space<vmem>> -> memref<2048xi32, #tpu.memory_space<vmem>>
      %dma_wait3A_136 = arith.constant 0 : i32
      %dma_wait3A_137 = tpu.memref_slice %arg3[%add3A_130, %dma_wait3A_136] : memref<160x2048xi32, #tpu.memory_space<hbm>> -> memref<1x2048xi32, #tpu.memory_space<hbm>>
      %dma_wait3A_138 = tpu.memref_squeeze %dma_wait3A_137 : memref<1x2048xi32, #tpu.memory_space<hbm>> -> memref<2048xi32, #tpu.memory_space<hbm>>
      %dma_wait3A_139 = tpu.memref_slice %arg10[%dma_wait3A_132] : memref<2x!tpu.dma_semaphore, #tpu.memory_space<semaphore_mem>> -> memref<1x!tpu.dma_semaphore, #tpu.memory_space<semaphore_mem>>
      %dma_wait3A_140 = tpu.memref_squeeze %dma_wait3A_139 : memref<1x!tpu.dma_semaphore, #tpu.memory_space<semaphore_mem>> -> memref<!tpu.dma_semaphore, #tpu.memory_space<semaphore_mem>>
      %dma_wait3A_141 = arith.constant 0 : i32
      %dma_wait3A_142 = tpu.memref_slice %arg8[%dma_wait3A_131, %dma_wait3A_141] : memref<2x2048xi32, #tpu.memory_space<vmem>> -> memref<1x2048xi32, #tpu.memory_space<vmem>>
      %dma_wait3A_143 = tpu.memref_squeeze %dma_wait3A_142 : memref<1x2048xi32, #tpu.memory_space<vmem>> -> memref<2048xi32, #tpu.memory_space<vmem>>
      %dma_wait3A_144 = arith.constant 0 : i32
      %dma_wait3A_145 = tpu.memref_slice %arg3[%add3A_130, %dma_wait3A_144] : memref<160x2048xi32, #tpu.memory_space<hbm>> -> memref<1x2048xi32, #tpu.memory_space<hbm>>
      %dma_wait3A_146 = tpu.memref_squeeze %dma_wait3A_145 : memref<1x2048xi32, #tpu.memory_space<hbm>> -> memref<2048xi32, #tpu.memory_space<hbm>>
      tpu.wait_dma2 semaphore(%dma_wait3A_140 : memref<!tpu.dma_semaphore, #tpu.memory_space<semaphore_mem>>) src(%dma_wait3A_146 : memref<2048xi32, #tpu.memory_space<hbm>>) dst(%dma_wait3A_143 : memref<2048xi32, #tpu.memory_space<vmem>>)
      %dma_wait3A_147 = arith.constant 1 : i32
      %dma_wait3A_148 = arith.constant 1 : i32
      %dma_wait3A_149 = arith.constant 0 : i32
      %dma_wait3A_150 = tpu.memref_slice %arg9[%dma_wait3A_147, %dma_wait3A_149] : memref<2x2048xf32, #tpu.memory_space<vmem>> -> memref<1x2048xf32, #tpu.memory_space<vmem>>
      %dma_wait3A_151 = tpu.memref_squeeze %dma_wait3A_150 : memref<1x2048xf32, #tpu.memory_space<vmem>> -> memref<2048xf32, #tpu.memory_space<vmem>>
      %dma_wait3A_152 = arith.constant 0 : i32
      %dma_wait3A_153 = tpu.memref_slice %arg4[%add3A_130, %dma_wait3A_152] : memref<160x2048xf32, #tpu.memory_space<hbm>> -> memref<1x2048xf32, #tpu.memory_space<hbm>>
      %dma_wait3A_154 = tpu.memref_squeeze %dma_wait3A_153 : memref<1x2048xf32, #tpu.memory_space<hbm>> -> memref<2048xf32, #tpu.memory_space<hbm>>
      %dma_wait3A_155 = tpu.memref_slice %arg10[%dma_wait3A_148] : memref<2x!tpu.dma_semaphore, #tpu.memory_space<semaphore_mem>> -> memref<1x!tpu.dma_semaphore, #tpu.memory_space<semaphore_mem>>
      %dma_wait3A_156 = tpu.memref_squeeze %dma_wait3A_155 : memref<1x!tpu.dma_semaphore, #tpu.memory_space<semaphore_mem>> -> memref<!tpu.dma_semaphore, #tpu.memory_space<semaphore_mem>>
      %dma_wait3A_157 = arith.constant 0 : i32
      %dma_wait3A_158 = tpu.memref_slice %arg9[%dma_wait3A_147, %dma_wait3A_157] : memref<2x2048xf32, #tpu.memory_space<vmem>> -> memref<1x2048xf32, #tpu.memory_space<vmem>>
      %dma_wait3A_159 = tpu.memref_squeeze %dma_wait3A_158 : memref<1x2048xf32, #tpu.memory_space<vmem>> -> memref<2048xf32, #tpu.memory_space<vmem>>
      %dma_wait3A_160 = arith.constant 0 : i32
      %dma_wait3A_161 = tpu.memref_slice %arg4[%add3A_130, %dma_wait3A_160] : memref<160x2048xf32, #tpu.memory_space<hbm>> -> memref<1x2048xf32, #tpu.memory_space<hbm>>
      %dma_wait3A_162 = tpu.memref_squeeze %dma_wait3A_161 : memref<1x2048xf32, #tpu.memory_space<hbm>> -> memref<2048xf32, #tpu.memory_space<hbm>>
      tpu.wait_dma2 semaphore(%dma_wait3A_156 : memref<!tpu.dma_semaphore, #tpu.memory_space<semaphore_mem>>) src(%dma_wait3A_162 : memref<2048xf32, #tpu.memory_space<hbm>>) dst(%dma_wait3A_159 : memref<2048xf32, #tpu.memory_space<vmem>>)
      %scan3A_163 = arith.constant 1 : i32
      %scan3A_164 = arith.constant 0 : i32
      %scan3A_165 = arith.constant 32 : i32
      %scan3A_166 = arith.addi %scan3A_164, %scan3A_165 : i32
      %scan3A_167 = arith.constant 1 : i32
      scf.for %scan3A_176 = %scan3A_164 to %scan3A_166 step %scan3A_167  : i32 {
        %mul3A_177 = arith.constant 4 : i32
        %mul3A_178 = arith.muli %mul3A_177, %scan3A_176 : i32
        %add3A_179 = arith.constant 0 : i32
        %add3A_180 = arith.addi %mul3A_178, %add3A_179 : i32
        %mul3A_181 = arith.constant 16 : i32
        %mul3A_182 = arith.muli %add3A_180, %mul3A_181 : i32
        %get3A = arith.index_cast %scan3A_163 : i32 to index
        %get3A_183 = arith.index_cast %mul3A_182 : i32 to index
        %get3A_184 = tpu.vector_load %arg8[%get3A, %get3A_183] {strides = array<i32>} : memref<2x2048xi32, #tpu.memory_space<vmem>>, vector<16xi32>,
        %and3A = arith.constant 65535 : i32
        %and3A_185 = vector.broadcast %and3A : i32 to vector<16xi32>
        %and3A_186 = arith.andi %get3A_184, %and3A_185 : vector<16xi32>
        %shift_right_logical3A = arith.constant 16 : i32
        %shift_right_logical3A_187 = vector.broadcast %shift_right_logical3A : i32 to vector<16xi32>
        %shift_right_logical3A_188 = arith.shrui %get3A_184, %shift_right_logical3A_187 : vector<16xi32>
        %get3A_189 = arith.index_cast %scan3A_163 : i32 to index
        %get3A_190 = arith.index_cast %mul3A_182 : i32 to index
        %get3A_191 = tpu.vector_load %arg9[%get3A_189, %get3A_190] {strides = array<i32>} : memref<2x2048xf32, #tpu.memory_space<vmem>>, vector<16xf32>,
        %gather3A = arith.constant 0 : i32
        %gather3A_192 = arith.constant 0 : i32
        %gather3A_193 = tpu.memref_slice %arg6[%gather3A, %gather3A_192] : memref<4x10240xf32, #tpu.memory_space<vmem>> -> memref<1x10240xf32, #tpu.memory_space<vmem>>
        %gather3A_194 = tpu.memref_squeeze %gather3A_193 : memref<1x10240xf32, #tpu.memory_space<vmem>> -> memref<10240xf32, #tpu.memory_space<vmem>>
        %gather3A_195 = tpu.vector_load_idx %gather3A_194[%and3A_186] : memref<10240xf32, #tpu.memory_space<vmem>>[vector<16xi32>], vector<16xf32>,
        %gather3A_196 = arith.constant 1 : i32
        %gather3A_197 = arith.constant 0 : i32
        %gather3A_198 = tpu.memref_slice %arg6[%gather3A_196, %gather3A_197] : memref<4x10240xf32, #tpu.memory_space<vmem>> -> memref<1x10240xf32, #tpu.memory_space<vmem>>
        %gather3A_199 = tpu.memref_squeeze %gather3A_198 : memref<1x10240xf32, #tpu.memory_space<vmem>> -> memref<10240xf32, #tpu.memory_space<vmem>>
        %gather3A_200 = tpu.vector_load_idx %gather3A_199[%and3A_186] : memref<10240xf32, #tpu.memory_space<vmem>>[vector<16xi32>], vector<16xf32>,
        %gather3A_201 = arith.constant 2 : i32
        %gather3A_202 = arith.constant 0 : i32
        %gather3A_203 = tpu.memref_slice %arg6[%gather3A_201, %gather3A_202] : memref<4x10240xf32, #tpu.memory_space<vmem>> -> memref<1x10240xf32, #tpu.memory_space<vmem>>
        %gather3A_204 = tpu.memref_squeeze %gather3A_203 : memref<1x10240xf32, #tpu.memory_space<vmem>> -> memref<10240xf32, #tpu.memory_space<vmem>>
        %gather3A_205 = tpu.vector_load_idx %gather3A_204[%and3A_186] : memref<10240xf32, #tpu.memory_space<vmem>>[vector<16xi32>], vector<16xf32>,
        %gather3A_206 = arith.constant 3 : i32
        %gather3A_207 = arith.constant 0 : i32
        %gather3A_208 = tpu.memref_slice %arg6[%gather3A_206, %gather3A_207] : memref<4x10240xf32, #tpu.memory_space<vmem>> -> memref<1x10240xf32, #tpu.memory_space<vmem>>
        %gather3A_209 = tpu.memref_squeeze %gather3A_208 : memref<1x10240xf32, #tpu.memory_space<vmem>> -> memref<10240xf32, #tpu.memory_space<vmem>>
        %gather3A_210 = tpu.vector_load_idx %gather3A_209[%and3A_186] : memref<10240xf32, #tpu.memory_space<vmem>>[vector<16xi32>], vector<16xf32>,
        %mul3A_211 = arith.mulf %gather3A_195, %get3A_191 : vector<16xf32>
        %mul3A_212 = arith.mulf %gather3A_200, %get3A_191 : vector<16xf32>
        %mul3A_213 = arith.mulf %gather3A_205, %get3A_191 : vector<16xf32>
        %mul3A_214 = arith.mulf %gather3A_210, %get3A_191 : vector<16xf32>
        %mul3A_215 = arith.constant 4 : i32
        %mul3A_216 = arith.muli %mul3A_215, %scan3A_176 : i32
        %add3A_217 = arith.constant 1 : i32
        %add3A_218 = arith.addi %mul3A_216, %add3A_217 : i32
        %mul3A_219 = arith.constant 16 : i32
        %mul3A_220 = arith.muli %add3A_218, %mul3A_219 : i32
        %get3A_221 = arith.index_cast %scan3A_163 : i32 to index
        %get3A_222 = arith.index_cast %mul3A_220 : i32 to index
        %get3A_223 = tpu.vector_load %arg8[%get3A_221, %get3A_222] {strides = array<i32>} : memref<2x2048xi32, #tpu.memory_space<vmem>>, vector<16xi32>,
        %and3A_224 = arith.constant 65535 : i32
        %and3A_225 = vector.broadcast %and3A_224 : i32 to vector<16xi32>
        %and3A_226 = arith.andi %get3A_223, %and3A_225 : vector<16xi32>
        %shift_right_logical3A_227 = arith.constant 16 : i32
        %shift_right_logical3A_228 = vector.broadcast %shift_right_logical3A_227 : i32 to vector<16xi32>
        %shift_right_logical3A_229 = arith.shrui %get3A_223, %shift_right_logical3A_228 : vector<16xi32>
        %get3A_230 = arith.index_cast %scan3A_163 : i32 to index
        %get3A_231 = arith.index_cast %mul3A_220 : i32 to index
        %get3A_232 = tpu.vector_load %arg9[%get3A_230, %get3A_231] {strides = array<i32>} : memref<2x2048xf32, #tpu.memory_space<vmem>>, vector<16xf32>,
        %gather3A_233 = arith.constant 0 : i32
        %gather3A_234 = arith.constant 0 : i32
        %gather3A_235 = tpu.memref_slice %arg6[%gather3A_233, %gather3A_234] : memref<4x10240xf32, #tpu.memory_space<vmem>> -> memref<1x10240xf32, #tpu.memory_space<vmem>>
        %gather3A_236 = tpu.memref_squeeze %gather3A_235 : memref<1x10240xf32, #tpu.memory_space<vmem>> -> memref<10240xf32, #tpu.memory_space<vmem>>
        %gather3A_237 = tpu.vector_load_idx %gather3A_236[%and3A_226] : memref<10240xf32, #tpu.memory_space<vmem>>[vector<16xi32>], vector<16xf32>,
        %gather3A_238 = arith.constant 1 : i32
        %gather3A_239 = arith.constant 0 : i32
        %gather3A_240 = tpu.memref_slice %arg6[%gather3A_238, %gather3A_239] : memref<4x10240xf32, #tpu.memory_space<vmem>> -> memref<1x10240xf32, #tpu.memory_space<vmem>>
        %gather3A_241 = tpu.memref_squeeze %gather3A_240 : memref<1x10240xf32, #tpu.memory_space<vmem>> -> memref<10240xf32, #tpu.memory_space<vmem>>
        %gather3A_242 = tpu.vector_load_idx %gather3A_241[%and3A_226] : memref<10240xf32, #tpu.memory_space<vmem>>[vector<16xi32>], vector<16xf32>,
        %gather3A_243 = arith.constant 2 : i32
        %gather3A_244 = arith.constant 0 : i32
        %gather3A_245 = tpu.memref_slice %arg6[%gather3A_243, %gather3A_244] : memref<4x10240xf32, #tpu.memory_space<vmem>> -> memref<1x10240xf32, #tpu.memory_space<vmem>>
        %gather3A_246 = tpu.memref_squeeze %gather3A_245 : memref<1x10240xf32, #tpu.memory_space<vmem>> -> memref<10240xf32, #tpu.memory_space<vmem>>
        %gather3A_247 = tpu.vector_load_idx %gather3A_246[%and3A_226] : memref<10240xf32, #tpu.memory_space<vmem>>[vector<16xi32>], vector<16xf32>,
        %gather3A_248 = arith.constant 3 : i32
        %gather3A_249 = arith.constant 0 : i32
        %gather3A_250 = tpu.memref_slice %arg6[%gather3A_248, %gather3A_249] : memref<4x10240xf32, #tpu.memory_space<vmem>> -> memref<1x10240xf32, #tpu.memory_space<vmem>>
        %gather3A_251 = tpu.memref_squeeze %gather3A_250 : memref<1x10240xf32, #tpu.memory_space<vmem>> -> memref<10240xf32, #tpu.memory_space<vmem>>
        %gather3A_252 = tpu.vector_load_idx %gather3A_251[%and3A_226] : memref<10240xf32, #tpu.memory_space<vmem>>[vector<16xi32>], vector<16xf32>,
        %mul3A_253 = arith.mulf %gather3A_237, %get3A_232 : vector<16xf32>
        %mul3A_254 = arith.mulf %gather3A_242, %get3A_232 : vector<16xf32>
        %mul3A_255 = arith.mulf %gather3A_247, %get3A_232 : vector<16xf32>
        %mul3A_256 = arith.mulf %gather3A_252, %get3A_232 : vector<16xf32>
        %mul3A_257 = arith.constant 4 : i32
        %mul3A_258 = arith.muli %mul3A_257, %scan3A_176 : i32
        %add3A_259 = arith.constant 2 : i32
        %add3A_260 = arith.addi %mul3A_258, %add3A_259 : i32
        %mul3A_261 = arith.constant 16 : i32
        %mul3A_262 = arith.muli %add3A_260, %mul3A_261 : i32
        %get3A_263 = arith.index_cast %scan3A_163 : i32 to index
        %get3A_264 = arith.index_cast %mul3A_262 : i32 to index
        %get3A_265 = tpu.vector_load %arg8[%get3A_263, %get3A_264] {strides = array<i32>} : memref<2x2048xi32, #tpu.memory_space<vmem>>, vector<16xi32>,
        %and3A_266 = arith.constant 65535 : i32
        %and3A_267 = vector.broadcast %and3A_266 : i32 to vector<16xi32>
        %and3A_268 = arith.andi %get3A_265, %and3A_267 : vector<16xi32>
        %shift_right_logical3A_269 = arith.constant 16 : i32
        %shift_right_logical3A_270 = vector.broadcast %shift_right_logical3A_269 : i32 to vector<16xi32>
        %shift_right_logical3A_271 = arith.shrui %get3A_265, %shift_right_logical3A_270 : vector<16xi32>
        %get3A_272 = arith.index_cast %scan3A_163 : i32 to index
        %get3A_273 = arith.index_cast %mul3A_262 : i32 to index
        %get3A_274 = tpu.vector_load %arg9[%get3A_272, %get3A_273] {strides = array<i32>} : memref<2x2048xf32, #tpu.memory_space<vmem>>, vector<16xf32>,
        %gather3A_275 = arith.constant 0 : i32
        %gather3A_276 = arith.constant 0 : i32
        %gather3A_277 = tpu.memref_slice %arg6[%gather3A_275, %gather3A_276] : memref<4x10240xf32, #tpu.memory_space<vmem>> -> memref<1x10240xf32, #tpu.memory_space<vmem>>
        %gather3A_278 = tpu.memref_squeeze %gather3A_277 : memref<1x10240xf32, #tpu.memory_space<vmem>> -> memref<10240xf32, #tpu.memory_space<vmem>>
        %gather3A_279 = tpu.vector_load_idx %gather3A_278[%and3A_268] : memref<10240xf32, #tpu.memory_space<vmem>>[vector<16xi32>], vector<16xf32>,
        %gather3A_280 = arith.constant 1 : i32
        %gather3A_281 = arith.constant 0 : i32
        %gather3A_282 = tpu.memref_slice %arg6[%gather3A_280, %gather3A_281] : memref<4x10240xf32, #tpu.memory_space<vmem>> -> memref<1x10240xf32, #tpu.memory_space<vmem>>
        %gather3A_283 = tpu.memref_squeeze %gather3A_282 : memref<1x10240xf32, #tpu.memory_space<vmem>> -> memref<10240xf32, #tpu.memory_space<vmem>>
        %gather3A_284 = tpu.vector_load_idx %gather3A_283[%and3A_268] : memref<10240xf32, #tpu.memory_space<vmem>>[vector<16xi32>], vector<16xf32>,
        %gather3A_285 = arith.constant 2 : i32
        %gather3A_286 = arith.constant 0 : i32
        %gather3A_287 = tpu.memref_slice %arg6[%gather3A_285, %gather3A_286] : memref<4x10240xf32, #tpu.memory_space<vmem>> -> memref<1x10240xf32, #tpu.memory_space<vmem>>
        %gather3A_288 = tpu.memref_squeeze %gather3A_287 : memref<1x10240xf32, #tpu.memory_space<vmem>> -> memref<10240xf32, #tpu.memory_space<vmem>>
        %gather3A_289 = tpu.vector_load_idx %gather3A_288[%and3A_268] : memref<10240xf32, #tpu.memory_space<vmem>>[vector<16xi32>], vector<16xf32>,
        %gather3A_290 = arith.constant 3 : i32
        %gather3A_291 = arith.constant 0 : i32
        %gather3A_292 = tpu.memref_slice %arg6[%gather3A_290, %gather3A_291] : memref<4x10240xf32, #tpu.memory_space<vmem>> -> memref<1x10240xf32, #tpu.memory_space<vmem>>
        %gather3A_293 = tpu.memref_squeeze %gather3A_292 : memref<1x10240xf32, #tpu.memory_space<vmem>> -> memref<10240xf32, #tpu.memory_space<vmem>>
        %gather3A_294 = tpu.vector_load_idx %gather3A_293[%and3A_268] : memref<10240xf32, #tpu.memory_space<vmem>>[vector<16xi32>], vector<16xf32>,
        %mul3A_295 = arith.mulf %gather3A_279, %get3A_274 : vector<16xf32>
        %mul3A_296 = arith.mulf %gather3A_284, %get3A_274 : vector<16xf32>
        %mul3A_297 = arith.mulf %gather3A_289, %get3A_274 : vector<16xf32>
        %mul3A_298 = arith.mulf %gather3A_294, %get3A_274 : vector<16xf32>
        %mul3A_299 = arith.constant 4 : i32
        %mul3A_300 = arith.muli %mul3A_299, %scan3A_176 : i32
        %add3A_301 = arith.constant 3 : i32
        %add3A_302 = arith.addi %mul3A_300, %add3A_301 : i32
        %mul3A_303 = arith.constant 16 : i32
        %mul3A_304 = arith.muli %add3A_302, %mul3A_303 : i32
        %get3A_305 = arith.index_cast %scan3A_163 : i32 to index
        %get3A_306 = arith.index_cast %mul3A_304 : i32 to index
        %get3A_307 = tpu.vector_load %arg8[%get3A_305, %get3A_306] {strides = array<i32>} : memref<2x2048xi32, #tpu.memory_space<vmem>>, vector<16xi32>,
        %and3A_308 = arith.constant 65535 : i32
        %and3A_309 = vector.broadcast %and3A_308 : i32 to vector<16xi32>
        %and3A_310 = arith.andi %get3A_307, %and3A_309 : vector<16xi32>
        %shift_right_logical3A_311 = arith.constant 16 : i32
        %shift_right_logical3A_312 = vector.broadcast %shift_right_logical3A_311 : i32 to vector<16xi32>
        %shift_right_logical3A_313 = arith.shrui %get3A_307, %shift_right_logical3A_312 : vector<16xi32>
        %get3A_314 = arith.index_cast %scan3A_163 : i32 to index
        %get3A_315 = arith.index_cast %mul3A_304 : i32 to index
        %get3A_316 = tpu.vector_load %arg9[%get3A_314, %get3A_315] {strides = array<i32>} : memref<2x2048xf32, #tpu.memory_space<vmem>>, vector<16xf32>,
        %gather3A_317 = arith.constant 0 : i32
        %gather3A_318 = arith.constant 0 : i32
        %gather3A_319 = tpu.memref_slice %arg6[%gather3A_317, %gather3A_318] : memref<4x10240xf32, #tpu.memory_space<vmem>> -> memref<1x10240xf32, #tpu.memory_space<vmem>>
        %gather3A_320 = tpu.memref_squeeze %gather3A_319 : memref<1x10240xf32, #tpu.memory_space<vmem>> -> memref<10240xf32, #tpu.memory_space<vmem>>
        %gather3A_321 = tpu.vector_load_idx %gather3A_320[%and3A_310] : memref<10240xf32, #tpu.memory_space<vmem>>[vector<16xi32>], vector<16xf32>,
        %gather3A_322 = arith.constant 1 : i32
        %gather3A_323 = arith.constant 0 : i32
        %gather3A_324 = tpu.memref_slice %arg6[%gather3A_322, %gather3A_323] : memref<4x10240xf32, #tpu.memory_space<vmem>> -> memref<1x10240xf32, #tpu.memory_space<vmem>>
        %gather3A_325 = tpu.memref_squeeze %gather3A_324 : memref<1x10240xf32, #tpu.memory_space<vmem>> -> memref<10240xf32, #tpu.memory_space<vmem>>
        %gather3A_326 = tpu.vector_load_idx %gather3A_325[%and3A_310] : memref<10240xf32, #tpu.memory_space<vmem>>[vector<16xi32>], vector<16xf32>,
        %gather3A_327 = arith.constant 2 : i32
        %gather3A_328 = arith.constant 0 : i32
        %gather3A_329 = tpu.memref_slice %arg6[%gather3A_327, %gather3A_328] : memref<4x10240xf32, #tpu.memory_space<vmem>> -> memref<1x10240xf32, #tpu.memory_space<vmem>>
        %gather3A_330 = tpu.memref_squeeze %gather3A_329 : memref<1x10240xf32, #tpu.memory_space<vmem>> -> memref<10240xf32, #tpu.memory_space<vmem>>
        %gather3A_331 = tpu.vector_load_idx %gather3A_330[%and3A_310] : memref<10240xf32, #tpu.memory_space<vmem>>[vector<16xi32>], vector<16xf32>,
        %gather3A_332 = arith.constant 3 : i32
        %gather3A_333 = arith.constant 0 : i32
        %gather3A_334 = tpu.memref_slice %arg6[%gather3A_332, %gather3A_333] : memref<4x10240xf32, #tpu.memory_space<vmem>> -> memref<1x10240xf32, #tpu.memory_space<vmem>>
        %gather3A_335 = tpu.memref_squeeze %gather3A_334 : memref<1x10240xf32, #tpu.memory_space<vmem>> -> memref<10240xf32, #tpu.memory_space<vmem>>
        %gather3A_336 = tpu.vector_load_idx %gather3A_335[%and3A_310] : memref<10240xf32, #tpu.memory_space<vmem>>[vector<16xi32>], vector<16xf32>,
        %mul3A_337 = arith.mulf %gather3A_321, %get3A_316 : vector<16xf32>
        %mul3A_338 = arith.mulf %gather3A_326, %get3A_316 : vector<16xf32>
        %mul3A_339 = arith.mulf %gather3A_331, %get3A_316 : vector<16xf32>
        %mul3A_340 = arith.mulf %gather3A_336, %get3A_316 : vector<16xf32>
        %scatter3A = arith.constant 0 : i32
        %scatter3A_341 = arith.constant 0 : i32
        %scatter3A_342 = tpu.memref_slice %arg7[%scatter3A, %scatter3A_341] : memref<4x10240xf32, #tpu.memory_space<vmem>> -> memref<1x10240xf32, #tpu.memory_space<vmem>>
        %scatter3A_343 = tpu.memref_squeeze %scatter3A_342 : memref<1x10240xf32, #tpu.memory_space<vmem>> -> memref<10240xf32, #tpu.memory_space<vmem>>
        tpu.vector_store_idx %scatter3A_343[%shift_right_logical3A_188], %mul3A_211 {add = true} : memref<10240xf32, #tpu.memory_space<vmem>>[vector<16xi32>], vector<16xf32>,
        %scatter3A_344 = arith.constant 1 : i32
        %scatter3A_345 = arith.constant 0 : i32
        %scatter3A_346 = tpu.memref_slice %arg7[%scatter3A_344, %scatter3A_345] : memref<4x10240xf32, #tpu.memory_space<vmem>> -> memref<1x10240xf32, #tpu.memory_space<vmem>>
        %scatter3A_347 = tpu.memref_squeeze %scatter3A_346 : memref<1x10240xf32, #tpu.memory_space<vmem>> -> memref<10240xf32, #tpu.memory_space<vmem>>
        tpu.vector_store_idx %scatter3A_347[%shift_right_logical3A_188], %mul3A_212 {add = true} : memref<10240xf32, #tpu.memory_space<vmem>>[vector<16xi32>], vector<16xf32>,
        %scatter3A_348 = arith.constant 2 : i32
        %scatter3A_349 = arith.constant 0 : i32
        %scatter3A_350 = tpu.memref_slice %arg7[%scatter3A_348, %scatter3A_349] : memref<4x10240xf32, #tpu.memory_space<vmem>> -> memref<1x10240xf32, #tpu.memory_space<vmem>>
        %scatter3A_351 = tpu.memref_squeeze %scatter3A_350 : memref<1x10240xf32, #tpu.memory_space<vmem>> -> memref<10240xf32, #tpu.memory_space<vmem>>
        tpu.vector_store_idx %scatter3A_351[%shift_right_logical3A_188], %mul3A_213 {add = true} : memref<10240xf32, #tpu.memory_space<vmem>>[vector<16xi32>], vector<16xf32>,
        %scatter3A_352 = arith.constant 3 : i32
        %scatter3A_353 = arith.constant 0 : i32
        %scatter3A_354 = tpu.memref_slice %arg7[%scatter3A_352, %scatter3A_353] : memref<4x10240xf32, #tpu.memory_space<vmem>> -> memref<1x10240xf32, #tpu.memory_space<vmem>>
        %scatter3A_355 = tpu.memref_squeeze %scatter3A_354 : memref<1x10240xf32, #tpu.memory_space<vmem>> -> memref<10240xf32, #tpu.memory_space<vmem>>
        tpu.vector_store_idx %scatter3A_355[%shift_right_logical3A_188], %mul3A_214 {add = true} : memref<10240xf32, #tpu.memory_space<vmem>>[vector<16xi32>], vector<16xf32>,
        %scatter3A_356 = arith.constant 0 : i32
        %scatter3A_357 = arith.constant 0 : i32
        %scatter3A_358 = tpu.memref_slice %arg7[%scatter3A_356, %scatter3A_357] : memref<4x10240xf32, #tpu.memory_space<vmem>> -> memref<1x10240xf32, #tpu.memory_space<vmem>>
        %scatter3A_359 = tpu.memref_squeeze %scatter3A_358 : memref<1x10240xf32, #tpu.memory_space<vmem>> -> memref<10240xf32, #tpu.memory_space<vmem>>
        tpu.vector_store_idx %scatter3A_359[%shift_right_logical3A_229], %mul3A_253 {add = true} : memref<10240xf32, #tpu.memory_space<vmem>>[vector<16xi32>], vector<16xf32>,
        %scatter3A_360 = arith.constant 1 : i32
        %scatter3A_361 = arith.constant 0 : i32
        %scatter3A_362 = tpu.memref_slice %arg7[%scatter3A_360, %scatter3A_361] : memref<4x10240xf32, #tpu.memory_space<vmem>> -> memref<1x10240xf32, #tpu.memory_space<vmem>>
        %scatter3A_363 = tpu.memref_squeeze %scatter3A_362 : memref<1x10240xf32, #tpu.memory_space<vmem>> -> memref<10240xf32, #tpu.memory_space<vmem>>
        tpu.vector_store_idx %scatter3A_363[%shift_right_logical3A_229], %mul3A_254 {add = true} : memref<10240xf32, #tpu.memory_space<vmem>>[vector<16xi32>], vector<16xf32>,
        %scatter3A_364 = arith.constant 2 : i32
        %scatter3A_365 = arith.constant 0 : i32
        %scatter3A_366 = tpu.memref_slice %arg7[%scatter3A_364, %scatter3A_365] : memref<4x10240xf32, #tpu.memory_space<vmem>> -> memref<1x10240xf32, #tpu.memory_space<vmem>>
        %scatter3A_367 = tpu.memref_squeeze %scatter3A_366 : memref<1x10240xf32, #tpu.memory_space<vmem>> -> memref<10240xf32, #tpu.memory_space<vmem>>
        tpu.vector_store_idx %scatter3A_367[%shift_right_logical3A_229], %mul3A_255 {add = true} : memref<10240xf32, #tpu.memory_space<vmem>>[vector<16xi32>], vector<16xf32>,
        %scatter3A_368 = arith.constant 3 : i32
        %scatter3A_369 = arith.constant 0 : i32
        %scatter3A_370 = tpu.memref_slice %arg7[%scatter3A_368, %scatter3A_369] : memref<4x10240xf32, #tpu.memory_space<vmem>> -> memref<1x10240xf32, #tpu.memory_space<vmem>>
        %scatter3A_371 = tpu.memref_squeeze %scatter3A_370 : memref<1x10240xf32, #tpu.memory_space<vmem>> -> memref<10240xf32, #tpu.memory_space<vmem>>
        tpu.vector_store_idx %scatter3A_371[%shift_right_logical3A_229], %mul3A_256 {add = true} : memref<10240xf32, #tpu.memory_space<vmem>>[vector<16xi32>], vector<16xf32>,
        %scatter3A_372 = arith.constant 0 : i32
        %scatter3A_373 = arith.constant 0 : i32
        %scatter3A_374 = tpu.memref_slice %arg7[%scatter3A_372, %scatter3A_373] : memref<4x10240xf32, #tpu.memory_space<vmem>> -> memref<1x10240xf32, #tpu.memory_space<vmem>>
        %scatter3A_375 = tpu.memref_squeeze %scatter3A_374 : memref<1x10240xf32, #tpu.memory_space<vmem>> -> memref<10240xf32, #tpu.memory_space<vmem>>
        tpu.vector_store_idx %scatter3A_375[%shift_right_logical3A_271], %mul3A_295 {add = true} : memref<10240xf32, #tpu.memory_space<vmem>>[vector<16xi32>], vector<16xf32>,
        %scatter3A_376 = arith.constant 1 : i32
        %scatter3A_377 = arith.constant 0 : i32
        %scatter3A_378 = tpu.memref_slice %arg7[%scatter3A_376, %scatter3A_377] : memref<4x10240xf32, #tpu.memory_space<vmem>> -> memref<1x10240xf32, #tpu.memory_space<vmem>>
        %scatter3A_379 = tpu.memref_squeeze %scatter3A_378 : memref<1x10240xf32, #tpu.memory_space<vmem>> -> memref<10240xf32, #tpu.memory_space<vmem>>
        tpu.vector_store_idx %scatter3A_379[%shift_right_logical3A_271], %mul3A_296 {add = true} : memref<10240xf32, #tpu.memory_space<vmem>>[vector<16xi32>], vector<16xf32>,
        %scatter3A_380 = arith.constant 2 : i32
        %scatter3A_381 = arith.constant 0 : i32
        %scatter3A_382 = tpu.memref_slice %arg7[%scatter3A_380, %scatter3A_381] : memref<4x10240xf32, #tpu.memory_space<vmem>> -> memref<1x10240xf32, #tpu.memory_space<vmem>>
        %scatter3A_383 = tpu.memref_squeeze %scatter3A_382 : memref<1x10240xf32, #tpu.memory_space<vmem>> -> memref<10240xf32, #tpu.memory_space<vmem>>
        tpu.vector_store_idx %scatter3A_383[%shift_right_logical3A_271], %mul3A_297 {add = true} : memref<10240xf32, #tpu.memory_space<vmem>>[vector<16xi32>], vector<16xf32>,
        %scatter3A_384 = arith.constant 3 : i32
        %scatter3A_385 = arith.constant 0 : i32
        %scatter3A_386 = tpu.memref_slice %arg7[%scatter3A_384, %scatter3A_385] : memref<4x10240xf32, #tpu.memory_space<vmem>> -> memref<1x10240xf32, #tpu.memory_space<vmem>>
        %scatter3A_387 = tpu.memref_squeeze %scatter3A_386 : memref<1x10240xf32, #tpu.memory_space<vmem>> -> memref<10240xf32, #tpu.memory_space<vmem>>
        tpu.vector_store_idx %scatter3A_387[%shift_right_logical3A_271], %mul3A_298 {add = true} : memref<10240xf32, #tpu.memory_space<vmem>>[vector<16xi32>], vector<16xf32>,
        %scatter3A_388 = arith.constant 0 : i32
        %scatter3A_389 = arith.constant 0 : i32
        %scatter3A_390 = tpu.memref_slice %arg7[%scatter3A_388, %scatter3A_389] : memref<4x10240xf32, #tpu.memory_space<vmem>> -> memref<1x10240xf32, #tpu.memory_space<vmem>>
        %scatter3A_391 = tpu.memref_squeeze %scatter3A_390 : memref<1x10240xf32, #tpu.memory_space<vmem>> -> memref<10240xf32, #tpu.memory_space<vmem>>
        tpu.vector_store_idx %scatter3A_391[%shift_right_logical3A_313], %mul3A_337 {add = true} : memref<10240xf32, #tpu.memory_space<vmem>>[vector<16xi32>], vector<16xf32>,
        %scatter3A_392 = arith.constant 1 : i32
        %scatter3A_393 = arith.constant 0 : i32
        %scatter3A_394 = tpu.memref_slice %arg7[%scatter3A_392, %scatter3A_393] : memref<4x10240xf32, #tpu.memory_space<vmem>> -> memref<1x10240xf32, #tpu.memory_space<vmem>>
        %scatter3A_395 = tpu.memref_squeeze %scatter3A_394 : memref<1x10240xf32, #tpu.memory_space<vmem>> -> memref<10240xf32, #tpu.memory_space<vmem>>
        tpu.vector_store_idx %scatter3A_395[%shift_right_logical3A_313], %mul3A_338 {add = true} : memref<10240xf32, #tpu.memory_space<vmem>>[vector<16xi32>], vector<16xf32>,
        %scatter3A_396 = arith.constant 2 : i32
        %scatter3A_397 = arith.constant 0 : i32
        %scatter3A_398 = tpu.memref_slice %arg7[%scatter3A_396, %scatter3A_397] : memref<4x10240xf32, #tpu.memory_space<vmem>> -> memref<1x10240xf32, #tpu.memory_space<vmem>>
        %scatter3A_399 = tpu.memref_squeeze %scatter3A_398 : memref<1x10240xf32, #tpu.memory_space<vmem>> -> memref<10240xf32, #tpu.memory_space<vmem>>
        tpu.vector_store_idx %scatter3A_399[%shift_right_logical3A_313], %mul3A_339 {add = true} : memref<10240xf32, #tpu.memory_space<vmem>>[vector<16xi32>], vector<16xf32>,
        %scatter3A_400 = arith.constant 3 : i32
        %scatter3A_401 = arith.constant 0 : i32
        %scatter3A_402 = tpu.memref_slice %arg7[%scatter3A_400, %scatter3A_401] : memref<4x10240xf32, #tpu.memory_space<vmem>> -> memref<1x10240xf32, #tpu.memory_space<vmem>>
        %scatter3A_403 = tpu.memref_squeeze %scatter3A_402 : memref<1x10240xf32, #tpu.memory_space<vmem>> -> memref<10240xf32, #tpu.memory_space<vmem>>
        tpu.vector_store_idx %scatter3A_403[%shift_right_logical3A_313], %mul3A_340 {add = true} : memref<10240xf32, #tpu.memory_space<vmem>>[vector<16xi32>], vector<16xf32>,
      }
      %scan3A_168 = arith.constant 32 : i32
      %add3A_169 = arith.constant 2 : i32
      %add3A_170 = arith.addi %add3A_130, %add3A_169 : i32
      %lt3A_171 = arith.constant 160 : i32
      %lt3A_172 = arith.cmpi slt, %add3A_170, %lt3A_171 : i32
      %convert_element_type3A_173 = arith.extui %lt3A_172 : i1 to i32
      %cond3A_174 = arith.constant 0 : i32
      %cond3A_175 = arith.cmpi ne, %convert_element_type3A_173, %cond3A_174 : i32
      scf.if %cond3A_175 {
        %add3A_176 = arith.constant 2 : i32
        %add3A_177 = arith.addi %add3A_130, %add3A_176 : i32
        %dma_start3A_178 = arith.constant 1 : i32
        %dma_start3A_179 = arith.constant 1 : i32
        %dma_start3A_180 = arith.constant 0 : i32
        %dma_start3A_181 = tpu.memref_slice %arg8[%dma_start3A_178, %dma_start3A_180] : memref<2x2048xi32, #tpu.memory_space<vmem>> -> memref<1x2048xi32, #tpu.memory_space<vmem>>
        %dma_start3A_182 = tpu.memref_squeeze %dma_start3A_181 : memref<1x2048xi32, #tpu.memory_space<vmem>> -> memref<2048xi32, #tpu.memory_space<vmem>>
        %dma_start3A_183 = arith.constant 0 : i32
        %dma_start3A_184 = tpu.memref_slice %arg3[%add3A_177, %dma_start3A_183] : memref<160x2048xi32, #tpu.memory_space<hbm>> -> memref<1x2048xi32, #tpu.memory_space<hbm>>
        %dma_start3A_185 = tpu.memref_squeeze %dma_start3A_184 : memref<1x2048xi32, #tpu.memory_space<hbm>> -> memref<2048xi32, #tpu.memory_space<hbm>>
        %dma_start3A_186 = tpu.memref_slice %arg10[%dma_start3A_179] : memref<2x!tpu.dma_semaphore, #tpu.memory_space<semaphore_mem>> -> memref<1x!tpu.dma_semaphore, #tpu.memory_space<semaphore_mem>>
        %dma_start3A_187 = tpu.memref_squeeze %dma_start3A_186 : memref<1x!tpu.dma_semaphore, #tpu.memory_space<semaphore_mem>> -> memref<!tpu.dma_semaphore, #tpu.memory_space<semaphore_mem>>
        %dma_start3A_188 = arith.constant 0 : i32
        %dma_start3A_189 = tpu.memref_slice %arg8[%dma_start3A_178, %dma_start3A_188] : memref<2x2048xi32, #tpu.memory_space<vmem>> -> memref<1x2048xi32, #tpu.memory_space<vmem>>
        %dma_start3A_190 = tpu.memref_squeeze %dma_start3A_189 : memref<1x2048xi32, #tpu.memory_space<vmem>> -> memref<2048xi32, #tpu.memory_space<vmem>>
        %dma_start3A_191 = arith.constant 0 : i32
        %dma_start3A_192 = tpu.memref_slice %arg3[%add3A_177, %dma_start3A_191] : memref<160x2048xi32, #tpu.memory_space<hbm>> -> memref<1x2048xi32, #tpu.memory_space<hbm>>
        %dma_start3A_193 = tpu.memref_squeeze %dma_start3A_192 : memref<1x2048xi32, #tpu.memory_space<hbm>> -> memref<2048xi32, #tpu.memory_space<hbm>>
        tpu.enqueue_dma source(%dma_start3A_193 : memref<2048xi32, #tpu.memory_space<hbm>>) target(%dma_start3A_190 : memref<2048xi32, #tpu.memory_space<vmem>>) target_semaphore(%dma_start3A_187 : memref<!tpu.dma_semaphore, #tpu.memory_space<semaphore_mem>>)
        %dma_start3A_194 = arith.constant 1 : i32
        %dma_start3A_195 = arith.constant 1 : i32
        %dma_start3A_196 = arith.constant 0 : i32
        %dma_start3A_197 = tpu.memref_slice %arg9[%dma_start3A_194, %dma_start3A_196] : memref<2x2048xf32, #tpu.memory_space<vmem>> -> memref<1x2048xf32, #tpu.memory_space<vmem>>
        %dma_start3A_198 = tpu.memref_squeeze %dma_start3A_197 : memref<1x2048xf32, #tpu.memory_space<vmem>> -> memref<2048xf32, #tpu.memory_space<vmem>>
        %dma_start3A_199 = arith.constant 0 : i32
        %dma_start3A_200 = tpu.memref_slice %arg4[%add3A_177, %dma_start3A_199] : memref<160x2048xf32, #tpu.memory_space<hbm>> -> memref<1x2048xf32, #tpu.memory_space<hbm>>
        %dma_start3A_201 = tpu.memref_squeeze %dma_start3A_200 : memref<1x2048xf32, #tpu.memory_space<hbm>> -> memref<2048xf32, #tpu.memory_space<hbm>>
        %dma_start3A_202 = tpu.memref_slice %arg10[%dma_start3A_195] : memref<2x!tpu.dma_semaphore, #tpu.memory_space<semaphore_mem>> -> memref<1x!tpu.dma_semaphore, #tpu.memory_space<semaphore_mem>>
        %dma_start3A_203 = tpu.memref_squeeze %dma_start3A_202 : memref<1x!tpu.dma_semaphore, #tpu.memory_space<semaphore_mem>> -> memref<!tpu.dma_semaphore, #tpu.memory_space<semaphore_mem>>
        %dma_start3A_204 = arith.constant 0 : i32
        %dma_start3A_205 = tpu.memref_slice %arg9[%dma_start3A_194, %dma_start3A_204] : memref<2x2048xf32, #tpu.memory_space<vmem>> -> memref<1x2048xf32, #tpu.memory_space<vmem>>
        %dma_start3A_206 = tpu.memref_squeeze %dma_start3A_205 : memref<1x2048xf32, #tpu.memory_space<vmem>> -> memref<2048xf32, #tpu.memory_space<vmem>>
        %dma_start3A_207 = arith.constant 0 : i32
        %dma_start3A_208 = tpu.memref_slice %arg4[%add3A_177, %dma_start3A_207] : memref<160x2048xf32, #tpu.memory_space<hbm>> -> memref<1x2048xf32, #tpu.memory_space<hbm>>
        %dma_start3A_209 = tpu.memref_squeeze %dma_start3A_208 : memref<1x2048xf32, #tpu.memory_space<hbm>> -> memref<2048xf32, #tpu.memory_space<hbm>>
        tpu.enqueue_dma source(%dma_start3A_209 : memref<2048xf32, #tpu.memory_space<hbm>>) target(%dma_start3A_206 : memref<2048xf32, #tpu.memory_space<vmem>>) target_semaphore(%dma_start3A_203 : memref<!tpu.dma_semaphore, #tpu.memory_space<semaphore_mem>>)
      } else {
      }
    }
    %scan3A_80 = arith.constant 80 : i32
    %mul3A_81 = arith.constant 4 : i32
    %mul3A_82 = arith.muli %add3A, %mul3A_81 : i32
    "tpu.region"() ({
      %run_scoped3A = tpu.sem_alloc : memref<!tpu.dma_semaphore, #tpu.memory_space<semaphore_mem>>
      %dma_start3A_83 = arith.constant 0 : i32
      %dma_start3A_84 = tpu.memref_slice %arg5[%mul3A_82, %dma_start3A_83] : memref<128x10240xf32, #tpu.memory_space<hbm>> -> memref<4x10240xf32, #tpu.memory_space<hbm>>
      %dma_start3A_85 = arith.constant 0 : i32
      %dma_start3A_86 = tpu.memref_slice %arg5[%mul3A_82, %dma_start3A_85] : memref<128x10240xf32, #tpu.memory_space<hbm>> -> memref<4x10240xf32, #tpu.memory_space<hbm>>
      tpu.enqueue_dma source(%arg7 : memref<4x10240xf32, #tpu.memory_space<vmem>>) target(%dma_start3A_86 : memref<4x10240xf32, #tpu.memory_space<hbm>>) target_semaphore(%run_scoped3A : memref<!tpu.dma_semaphore, #tpu.memory_space<semaphore_mem>>)
      %dma_wait3A = arith.constant 0 : i32
      %dma_wait3A_87 = tpu.memref_slice %arg5[%mul3A_82, %dma_wait3A] : memref<128x10240xf32, #tpu.memory_space<hbm>> -> memref<4x10240xf32, #tpu.memory_space<hbm>>
      %dma_wait3A_88 = arith.constant 0 : i32
      %dma_wait3A_89 = tpu.memref_slice %arg5[%mul3A_82, %dma_wait3A_88] : memref<128x10240xf32, #tpu.memory_space<hbm>> -> memref<4x10240xf32, #tpu.memory_space<hbm>>
      tpu.wait_dma2 semaphore(%run_scoped3A : memref<!tpu.dma_semaphore, #tpu.memory_space<semaphore_mem>>) src(%arg7 : memref<4x10240xf32, #tpu.memory_space<vmem>>) dst(%dma_wait3A_89 : memref<4x10240xf32, #tpu.memory_space<hbm>>)
      tpu.yield
    }) : () -> ()
    return
  }
}

</mosaic_0001>

<sc_bundles>
// kernel: _sc_aggregate.3.cloned.1.call-start
scs
__scs_entry_jumppad:
0x0: {  	(pc) =	sbr.rel $0x88, $3  }
0x1: {  	(tag) =	ssettag $0x0;
	lr =	simm.s32 $0x1  }
0x2: {  	[smem:$0x3F9E] =	sst lr;
	_ =	strace $0xD0000000  }
0x3: {  	_ = 	snop  }
0x4: {  	_ = 	snop  }
0x5: {  	_ = 	snop  }
0x6: {  	_ = 	snop  }
0x7: {  	_ = 	snop  }
__scs_overlays_trampoline_lowered:
0x8: {  	[smem:$0x3FAD] =	sst s0  }
0x9: {  	[smem:$0x3FAE] =	sst s1  }
0xa: {  	[smem:$0x3FAF] =	sst s2  }
0xb: {  	[smem:$0x3FB0] =	sst s3  }
0xc: {  	[smem:$0x3FB1] =	sst s4  }
0xd: {  	[smem:$0x3FB2] =	sst s5  }
0xe: {  	[smem:$0x3FB3] =	sst s6  }
0xf: {  	[smem:$0x3FB4] =	sst s7  }
0x10: {  	[smem:$0x3FB5] =	sst s8  }
0x11: {  	[smem:$0x3FB6] =	sst s9;
	s0 =	simm.s32 @!p0 $0x0  }
0x12: {  	s1 =	sld [smem:$0x3F9C];
	s0 =	simm.s32 @p0 $0x1  }
0x13: {  	[smem:$0x3FB7] =	sst s0;
	s0 =	simm.s32 @!p1 $0x0  }
0x14: {  	s2 =	sld [smem:$0x3F9B];
	s0 =	simm.s32 @p1 $0x1  }
0x15: {  	[smem:$0x3FB8] =	sst s0;
	s0 =	simm.s32 @!p2 $0x0  }
0x16: {  	s3 =	sld [smem:$0x3FDB];
	s0 =	simm.s32 @p2 $0x1  }
0x17: {  	s4 =	simm.s32 $0x1BF5;
	[smem:$0x3FBA] =	sst s0  }
0x18: {  	s0 =	sld [smem:$0x3F9D];
	_ =	swait.ge [sflag:s4], $0x0  }
0x19: {  	s7 =	sld [smem:$0x3F9E]  }
0x1a: {  	s8 =	sadd.s32 $0xFFFFE003, lr  }
0x1b: {  	s9 =	sadd.s32 $0xFFFFFEF7, lr;
	s5 =	simm.s32 $0xFFFFFFFF;
	p2 =	slt.u32 s8, $0xFFFFF086  }
0x1c: {  	p1 =	slt.u32 s9, $0xF7A;
	s5 =	simm.s32 @!p2 $0x0  }
0x1d: {  	s5 =	simm.s32 @p1 $0x1;
	p0 =	seq.s32 s7, s2  }
0x1e: {  	s7 =	smul.u32 @!p0 $0xF7A, s2;
	p2 =	seq.s32 @!p0 s5, $0x0  }
0x1f: {  	s9 =	smul.u32 $0xF7A, s1;
	s8 =	simm.s32 @!p0 $0x1BF5;
	p2 =	por !p2, p0  }
0x20: {  	[sflag:s8] =	ssyncset.s32 @!p0 $0xFFFFF086;
	s6 =	sadd.s32 @!p0 s3, s7;
	s7 =	simm.s32 @!p0 $0x108  }
0x21: {  	s3 =	sadd.s32 s3, s9;
	s6 =	sadd.s32 @!p0 $0x88, s6;
	s7 =	simm.s32 @p2 $0x1082  }
0x22: {  	[simem:s7], [sflag:s8] =	dma.local @!p0 [hbm:s6], $0xF7A  }
0x23: {  	s9 =	sor.u32 $0xD0000000, s2;
	s6 =	simm.s32 $0x108;
	_ =	swait.ge @!p0 [sflag:s8], $0x0  }
0x24: {  	s3 =	sadd.s32 $0x88, s3;
	s6 =	simm.s32 @!p1 $0x1082;
	[sflag:s4] =	ssyncset.s32 $0xFFFFF086  }
0x25: {  	[simem:s6], [sflag:s4] =	dma.local [hbm:s3], $0xF7A  }
0x26: {  	[smem:$0x3F9E] =	sst s1;
	(tag) =	ssettag s2;
	_ =	strace s9  }
0x27: {  	s1 =	sld [smem:$0x3FAE]  }
0x28: {  	s2 =	sld [smem:$0x3FAF]  }
0x29: {  	s4 =	sld [smem:$0x3FB1]  }
0x2a: {  	p0 =	seq.s32 s5, $0x0;
	s5 =	sld [smem:$0x3FB2]  }
0x2b: {  	s6 =	sld [smem:$0x3FB3]  }
0x2c: {  	s7 =	sld [smem:$0x3FB4]  }
0x2d: {  	s3 =	simm.s32 $0x108;
	s8 =	sld [smem:$0x3FB5]  }
0x2e: {  	s3 =	simm.s32 @!p0 $0x1082;
	s9 =	sld [smem:$0x3FB6]  }
0x2f: {  	lr =	sadd.s32 s0, s3;
	s0 =	sld [smem:$0x3FAD]  }
0x30: {  	s3 =	sld [smem:$0x3FB0]  }
0x31: {  	[smem:$0x3FB9] =	sst s10  }
0x32: {  	s10 =	sld [smem:$0x3FB7];
	_ =	sdelay $0x3  }
0x33: {  	p0 =	seq.s32 s10, $0x1;
	s10 =	sld [smem:$0x3FB9];
	_ =	sdelay $0x3  }
0x34: {  	[smem:$0x3FB9] =	sst s10  }
0x35: {  	s10 =	sld [smem:$0x3FB8];
	_ =	sdelay $0x3  }
0x36: {  	p1 =	seq.s32 s10, $0x1;
	s10 =	sld [smem:$0x3FB9];
	_ =	sdelay $0x3  }
0x37: {  	[smem:$0x3FB9] =	sst s10  }
0x38: {  	s10 =	sld [smem:$0x3FBA]  }
0x39: {  	_ = 	snop;
	(pc) =	sbr.ind lr, $3  }
0x3a: {  	_ = 	snop  }
0x3b: {  	_ = 	snop  }
0x3c: {  	p2 =	seq.s32 s10, $0x1;
	s10 =	sld [smem:$0x3FB9]  }
0x3d: {  	_ =	shalt  }
0x3e: {  	_ =	shalt  }
0x3f: {  	_ =	shalt  }
0x40: {  	_ =	shalt  }
0x41: {  	_ =	shalt  }
0x42: {  	_ =	shalt  }
0x43: {  	_ =	shalt  }
0x44: {  	_ =	shalt  }
0x45: {  	_ =	shalt  }
0x46: {  	_ =	shalt  }
0x47: {  	_ =	shalt  }
0x48: {  	_ =	shalt  }
0x49: {  	_ =	shalt  }
0x4a: {  	_ =	shalt  }
0x4b: {  	_ =	shalt  }
0x4c: {  	_ =	shalt  }
0x4d: {  	_ =	shalt  }
0x4e: {  	_ =	shalt  }
0x4f: {  	_ =	shalt  }
0x50: {  	_ =	shalt  }
0x51: {  	_ =	shalt  }
0x52: {  	_ =	shalt  }
0x53: {  	_ =	shalt  }
0x54: {  	_ =	shalt  }
0x55: {  	_ =	shalt  }
0x56: {  	_ =	shalt  }
0x57: {  	_ =	shalt  }
0x58: {  	_ =	shalt  }
0x59: {  	_ =	shalt  }
0x5a: {  	_ =	shalt  }
0x5b: {  	_ =	shalt  }
0x5c: {  	_ =	shalt  }
0x5d: {  	_ =	shalt  }
0x5e: {  	_ =	shalt  }
0x5f: {  	_ =	shalt  }
0x60: {  	_ =	shalt  }
0x61: {  	_ =	shalt  }
0x62: {  	_ =	shalt  }
0x63: {  	_ =	shalt  }
0x64: {  	_ =	shalt  }
0x65: {  	_ =	shalt  }
0x66: {  	_ =	shalt  }
0x67: {  	_ =	shalt  }
0x68: {  	_ =	shalt  }
0x69: {  	_ =	shalt  }
0x6a: {  	_ =	shalt  }
0x6b: {  	_ =	shalt  }
0x6c: {  	_ =	shalt  }
0x6d: {  	_ =	shalt  }
0x6e: {  	_ =	shalt  }
0x6f: {  	_ =	shalt  }
0x70: {  	_ =	shalt  }
0x71: {  	_ =	shalt  }
0x72: {  	_ =	shalt  }
0x73: {  	_ =	shalt  }
0x74: {  	_ =	shalt  }
0x75: {  	_ =	shalt  }
0x76: {  	_ =	shalt  }
0x77: {  	_ =	shalt  }
0x78: {  	_ =	shalt  }
0x79: {  	_ =	shalt  }
0x7a: {  	_ =	shalt  }
0x7b: {  	_ =	shalt  }
0x7c: {  	_ =	shalt  }
0x7d: {  	_ =	shalt  }
0x7e: {  	_ =	shalt  }
0x7f: {  	_ =	shalt  }
0x80: {  	_ =	shalt  }
0x81: {  	_ =	shalt  }
0x82: {  	_ =	shalt  }
0x83: {  	_ =	shalt  }
0x84: {  	_ =	shalt  }
0x85: {  	_ =	shalt  }
0x86: {  	_ =	shalt  }
0x87: {  	_ =	shalt  }
.Lfunc_end0:
.L_simem_size_0:
called_computation_lowered:
.L_overlay_start_0:
0x88: {  	s2 =	sld [smem:$0x3FD9]  }
0x89: {  	s3 =	sld [smem:$0x3FFE];
	_ =	sdelay $0x1  }
0x8a: {  	s1 =	srdreg.scid  }
0x8b: {  	s0 =	sand.u32 $0x1, s1  }
0x8c: {  	s17 =	sshll.u32 s0, $0xA;
	s2 =	sadd.s32 s3, s2  }
0x8d: {  	s2 =	sadd.s32 s2, s17  }
0x8e: {  	[smem:$0x3FC5] =	sst s2  }
0x8f: {  	_ = 	snop  }
0x90: {  	s2 =	sld [smem:$0x3FD0];
	(tm) =	ssettm $0x1  }
0x91: {  	s18 =	sld [smem:$0x3FFB];
	_ =	sdelay $0x3  }
0x92: {  	_ =	strace s18  }
0x93: {  	s3 =	sld [smem:$0x3FFC];
	_ =	sdelay $0x3  }
0x94: {  	_ =	strace s3  }
0x95: {  	s3 =	sld [smem:$0x3FFD];
	_ =	sdelay $0x3  }
0x96: {  	_ =	strace s3  }
0x97: {  	_ =	strace $0x8FFFFFFF  }
0x98: {  	s19 =	sld [smem:$0x3FDB];
	_ =	sdelay $0x1  }
0x99: {  	s4 =	simm.s32 $_scs_section_size  }
0x9a: {  	s5 =	simm.s32 $_size__tile_overlayer_lowered;
	s6 =	simm.s32 $_tile_overlayer_lowered  }
0x9b: {  	s22 =	simm.s32 $0x1BFF;
	s21 =	sshll.u32 s6, $0x1;
	s3 =	sadd.s32 s4, s19  }
0x9c: {  	s7 =	simm.s32 $0x0;
	s20 =	sshll.u32 s5, $0x1;
	s5 =	sadd.s32 s21, s3  }
0x9d: {  	[timem:s7], [sflag:s22] =	dma.local [hbm:s5], s20  }
0x9e: {  	_ =	swait.ge [sflag:s22], s20  }
0x9f: {  	s4 =	ssub.s32 $0x0, s20;
	[sflag:s22] =	ssyncset.done $0x0  }
0xa0: {  	[sflag:s22] =	ssyncadd.s32 s4;
	_ =	sdelay $0x1  }
0xa1: {  	s23 =	simm.s32 $0x1B8B  }
0xa2: {  	_ =	swait.ge [sflag:s23], $0x1  }
0xa3: {  	[sflag:s23] =	ssyncset.done $0x0  }
0xa4: {  	s25 =	simm.s32 $0x1B8E;
	s24 =	sld [smem:$0x3FFE];
	[sflag:s23] =	ssyncadd.s32 $0xFFFFFFFF  }
0xa5: {  	s26 =	simm.s32 $execute0_lowered;
	[smem:$0x3FD2] =	sst s25  }
0xa6: {  	s5 =	sshll.u32 s26, $0x1;
	_ =	strace $0x80000046;
	[dreg:$0x1] =	wrdreg $0xFFFFFFFF  }
0xa7: {  	s28 =	simm.s32 $_size_execute0_lowered;
	s3 =	sadd.s32 s3, s5;
	[dreg:$0x0] =	wrdreg $0x0  }
0xa8: {  	s5 =	sshll.u32 s28, $0x1;
	[dreg:$0x2] =	wrdreg s3  }
0xa9: {  	[dreg:$0x3] =	wrdreg s5  }
0xaa: {  	[dreg:$0x4] =	wrdreg $0xC0  }
0xab: {  	_ =	task [dreg:s7], $0x5FFFF  }
0xac: {  	[dreg:$0x1] =	wrdreg $0xFFFFFFFF  }
0xad: {  	[dreg:$0x0] =	wrdreg $0x60  }
0xae: {  	[dreg:$0x2] =	wrdreg s2  }
0xaf: {  	[dreg:$0x3] =	wrdreg s24  }
0xb0: {  	[dreg:$0x4] =	wrdreg $0x9  }
0xb1: {  	_ =	task.clear_ibuf [dreg:s7], $0x5FFFF;
	_ =	strace $0x90000046  }
0xb2: {  	s29 =	simm.s32 $0x9;
	_ =	strace $0x80000048  }
0xb3: {  	_ =	swait.ge [sflag:s29], $0x1  }
0xb4: {  	[sflag:s29] =	ssyncadd.s32 $0xFFFFFFFF  }
0xb5: {  	_ =	strace $0x90000048  }
0xb6: {  	_ =	sfence  }
0xb7: {  	s30 =	sld [smem:$0x0];
	_ =	sdelay $0x2  }
0xb8: {  	s31 =	sshll.u32 s1, $0xD;
	s1 =	sshrl.u32 s1, $0x2  }
0xb9: {  	s3 =	sand.u32 $0x4000, s31;
	s1 =	sadd.s32 s1, s30  }
0xba: {  	s0 =	sor.u32 s3, s0;
	s1 =	sshll.u32 s1, $0x11  }
0xbb: {  	s0 =	sor.u32 s1, s0  }
0xbc: {  	s0 =	sadd.s32 $0x8F2B, s0  }
0xbd: {  	[sflag:s0] =	ssyncadd.remote.s32 $0x1  }
0xbe: {  	_ =	sfence.sel $0xFFFF  }
0xbf: {  	[dreg:$0x0] =	wrdreg $0xFFFFFFFF;
	(pc) =	sbr.abs _section_cstart, $3  }
0xc0: {  	[dreg:$0x1] =	wrdreg $0xFFFFFFFF  }
0xc1: {  	_ =	task.clear_ibuf [dreg:s7], $0x2FFFF;
	_ =	strace $0x9FFFFFFF  }
0xc2: {  	(tm) =	ssettm $0x7FFFFFFF  }
0xc3: {  	_ =	shalt  }
tec
execute0_lowered:
.L_overlay_start_1:
0x0: {  	(tag) =	ssettag $0x1  }
0x1: {  	s1 =	srdreg.scid;
	s5 =	rddreg [dreg:$0x0]  }
0x2: {  	s0 =	stileid.u32;
	s7 =	rddreg [dreg:$0x1]  }
0x3: {  	s2 =	simm.s32 $0x0;
	s11 =	simm.s32 $0x14000;
	s12 =	simm.s32 $0x15000  }
0x4: {  	s13 =	simm.s32 $0x14800;
	s14 =	simm.s32 $0x15800;
	s15 =	simm.s32 $0x1  }
0x5: {  	s16 =	simm.s32 $0x2800;
	s17 =	simm.s32 $0x5000;
	s18 =	simm.s32 $0x7800  }
0x6: {  	s19 =	simm.s32 $0xA000;
	s20 =	simm.s32 $0xC800;
	s4 =	sand.u32 $0x1, s1  }
0x7: {  	s21 =	simm.s32 $0xF000;
	s6 =	sshll.u32 s0, $0x2;
	s3 =	sshll.u32 s4, $0x6  }
0x8: {  	s22 =	simm.s32 $0x11800;
	s23 =	simm.s32 $0x2;
	s3 =	sor.u32 s6, s3  }
0x9: {  	s24 =	simm.s32 $0x0;
	s1 =	rddreg [dreg:$0x2];
	s6 =	smul.u32 $0x500, s3  }
.Ltmp0:
0xa: {  	[smem:$0x7FF] =	sst s2;
	s8 =	ssub.s32 $0x2, s4;
	(pc) =	sbr.rel .LBB2_1-.Ltmp0, $4  }
0xb: {  	_ =	strace $0x80000047;
	s4 =	sadd.s32 $0xA600, s7;
	s10 =	sshrl.u32 s8, $0x1  }
0xc: {  	s3 =	sadd.s32 $0x600, s7;
	s10 =	ssub.s32 s8, s10;
	s9 =	sadd.s32 s6, s7  }
0xd: {  	s5 =	sadd.s32 s5, s6;
	s6 =	sadd.s32 $0x700, s7;
	s7 =	sadd.s32 $0xA700, s7  }
0xe: {  	v0 =	vimm.f32 $0.0e+00;
	s8 =	sadd.s32 $0x14600, s9;
	s9 =	smax.u32 s10, $0x1;
	s10 =	simm.s32 $0x3  }
.LBB2_10:
0xf: {  	s24 =	sadd.s32 $0x1, s24  }
0x10: {  	p0 =	sne.s32 s24, s9  }
.Ltmp1:
0x11: {  	_ = 	snop;
	(pc) =	sbr.rel @!p0 .LBB2_11-.Ltmp1, $4  }
0x12: {  	[hbm4b:s8+s2] =	stream.linear.scatter [tilespmem:s19], [sflag:$0x3], $0xA000, $0x38;
	[tilespmem:$0x16000] =	vst v63  }
0x13: {  	_ =	swait.ge [sflag:s10], $0xA000  }
0x14: {  	[sflag:s10] =	ssyncset.done $0x0  }
0x15: {  	[sflag:s10] =	ssyncadd.s32 $0xFFFF6000  }
.LBB2_1:
0x16: {  	[tilespmem:s2], [sflag:$0x3] =	stream.linear.gather [hbm4b:s5+s2], $0xA000, $0x38;
	[tilespmem:$0x16000] =	vst v63  }
0x17: {  	_ =	swait.ge [sflag:s10], $0xA000  }
0x18: {  	[sflag:s10] =	ssyncset.done $0x0  }
0x19: {  	s26 =	simm.s32 $0x40;
	s25 =	simm.s32 $0x0;
	[sflag:s10] =	ssyncadd.s32 $0xFFFF6000  }
.LBB2_2:
0x1a: {  	p0 =	sne.s32 s26, $0x9FC0;
	[tilespmem:s25+$0x11800] =	vst v0;
	s28 =	smov.u32 s26;
	s26 =	sadd.s32 $0x40, s26  }
.Ltmp2:
0x1b: {  	[tilespmem:s25+$0xF000] =	vst v0;
	(pc) =	sbr.rel @p0 .LBB2_2-.Ltmp2, $3  }
0x1c: {  	[tilespmem:s25+$0xA000] =	vst v0  }
0x1d: {  	[tilespmem:s25+$0xC800] =	vst v0;
	_ =	sdelay $0x1  }
0x1e: {  	s25 =	sshra.s32 s28, $0x2  }
0x1f: {  	[tilespmem:s25+$0x11800] =	vst v0  }
0x20: {  	[tilespmem:s25+$0xF000] =	vst v0  }
0x21: {  	[tilespmem:s25+$0xA000] =	vst v0  }
0x22: {  	[tilespmem:s25+$0xC800] =	vst v0;
	s25 =	simm.s32 $0x0  }
0x23: {  	[tilespmem:s11], [sflag:$0x1] =	stream.linear.gather [hbm4b:s3+s25], $0x800, $0x38;
	[tilespmem:$0x16000] =	vst v63  }
0x24: {  	_ = 	snop  }
0x25: {  	[tilespmem:s12], [sflag:$0x1] =	stream.linear.gather [hbm4b:s4+s25], $0x800, $0x38;
	[tilespmem:$0x16000] =	vst v63  }
0x26: {  	_ = 	snop  }
0x27: {  	[tilespmem:s13], [sflag:$0x2] =	stream.linear.gather [hbm4b:s6+s25], $0x800, $0x38;
	[tilespmem:$0x16000] =	vst v63  }
0x28: {  	_ = 	snop  }
0x29: {  	[tilespmem:s14], [sflag:$0x2] =	stream.linear.gather [hbm4b:s7+s25], $0x800, $0x38;
	[tilespmem:$0x16000] =	vst v63  }
.LBB2_4:
0x2a: {  	_ =	swait.ge [sflag:s15], $0x800  }
0x2b: {  	[sflag:s15] =	ssyncset.done $0x0  }
0x2c: {  	[sflag:s15] =	ssyncadd.s32 $0xFFFFF800  }
0x2d: {  	_ =	swait.ge [sflag:s15], $0x800  }
0x2e: {  	[sflag:s15] =	ssyncset.done $0x0  }
0x2f: {  	s26 =	simm.s32 $0x0;
	[sflag:s15] =	ssyncadd.s32 $0xFFFFF800  }
0x30: {  	v1 =	vld [tilespmem:s26+$0x14000];
	_ =	sdelay $0x2  }
0x31: {  	v4 =	vld [tilespmem:s26+$0x15030]  }
0x32: {  	v2 =	vld [tilespmem:s26+$0x14010]  }
0x33: {  	v5 =	vld [tilespmem:s26+$0x14020];
	v3 =	vand.u32 $0xFFFF, v1  }
0x34: {  	v6 =	vld [tilespmem:s26+$0x15020]  }
0x35: {  	v7 =	vld [tilespmem:s26+$0x15000]  }
0x36: {  	v8 =	vld [tilespmem:s26+$0x15010]  }
0x37: {  	v10 =	vld [tilespmem:s26+$0x14030];
	v9 =	vand.u32 $0xFFFF, v2  }
0x38: {  	v11 =	vld.idx.msk [tilespmem:v3+s2+$0x0], $0xffff  }
0x39: {  	v12 =	vld.idx.msk [tilespmem:v3+s16+$0x0], $0xffff  }
0x3a: {  	v13 =	vand.u32 $0xFFFF, v5;
	v14 =	vld.idx.msk [tilespmem:v3+s18+$0x0], $0xffff  }
0x3b: {  	v3 =	vld.idx.msk [tilespmem:v3+s17+$0x0], $0xffff  }
0x3c: {  	v15 =	vld.idx.msk [tilespmem:v9+s18+$0x0], $0xffff  }
0x3d: {  	v16 =	vld.idx.msk [tilespmem:v9+s17+$0x0], $0xffff  }
0x3e: {  	v18 =	vand.u32 $0xFFFF, v10;
	v17 =	vld.idx.msk [tilespmem:v9+s2+$0x0], $0xffff  }
0x3f: {  	v19 =	vld.idx.msk [tilespmem:v13+s18+$0x0], $0xffff  }
0x40: {  	v20 =	vld.idx.msk [tilespmem:v13+s17+$0x0], $0xffff  }
0x41: {  	v9 =	vld.idx.msk [tilespmem:v9+s16+$0x0], $0xffff  }
0x42: {  	v21 =	vld.idx.msk [tilespmem:v13+s2+$0x0], $0xffff  }
0x43: {  	v1 =	vshrl.u32 v1, $0x10;
	v22 =	vld.idx.msk [tilespmem:v18+s18+$0x0], $0xffff  }
0x44: {  	v13 =	vld.idx.msk [tilespmem:v13+s16+$0x0], $0xffff  }
0x45: {  	v23 =	vld.idx.msk [tilespmem:v18+s17+$0x0], $0xffff  }
0x46: {  	v24 =	vld.idx.msk [tilespmem:v18+s16+$0x0], $0xffff;
	v11 =	vmul.f32 v11, v7  }
0x47: {  	v2 =	vshrl.u32 v2, $0x10;
	v18 =	vld.idx.msk [tilespmem:v18+s2+$0x0], $0xffff;
	v12 =	vmul.f32 v12, v7  }
0x48: {  	v3 =	vmul.f32 v3, v7;
	[tilespmem:v1+s19+$0x0] =	vst.idx.add.f32.msk $0xffff, v11  }
0x49: {  	v7 =	vmul.f32 v14, v7;
	[tilespmem:v1+s20+$0x0] =	vst.idx.add.f32.msk $0xffff, v12  }
0x4a: {  	v62 =	vmul.f32 v17, v8;
	[tilespmem:v1+s21+$0x0] =	vst.idx.add.f32.msk $0xffff, v3  }
0x4b: {  	v5 =	vshrl.u32 v5, $0x10;
	v3 =	vmul.f32 v9, v8;
	[tilespmem:v1+s22+$0x0] =	vst.idx.add.f32.msk $0xffff, v7  }
0x4c: {  	v1 =	vmul.f32 v16, v8;
	[tilespmem:v2+s19+$0x0] =	vst.idx.add.f32.msk $0xffff, v62  }
0x4d: {  	v7 =	vmul.f32 v15, v8;
	[tilespmem:v2+s20+$0x0] =	vst.idx.add.f32.msk $0xffff, v3  }
0x4e: {  	v3 =	vmul.f32 v21, v6;
	[tilespmem:v2+s21+$0x0] =	vst.idx.add.f32.msk $0xffff, v1  }
0x4f: {  	v63 =	vmul.f32 v13, v6;
	v1 =	vshrl.u32 v10, $0x10;
	[tilespmem:v2+s22+$0x0] =	vst.idx.add.f32.msk $0xffff, v7  }
0x50: {  	v2 =	vmul.f32 v20, v6;
	[tilespmem:v5+s19+$0x0] =	vst.idx.add.f32.msk $0xffff, v3  }
0x51: {  	v3 =	vmul.f32 v19, v6;
	[tilespmem:v5+s20+$0x0] =	vst.idx.add.f32.msk $0xffff, v63  }
0x52: {  	v6 =	vmul.f32 v18, v4;
	[tilespmem:v5+s21+$0x0] =	vst.idx.add.f32.msk $0xffff, v2  }
0x53: {  	v2 =	vmul.f32 v24, v4;
	[tilespmem:v5+s22+$0x0] =	vst.idx.add.f32.msk $0xffff, v3  }
0x54: {  	s26 =	simm.s32 $0x100;
	v3 =	vmul.f32 v23, v4;
	v4 =	vmul.f32 v22, v4;
	[tilespmem:v1+s19+$0x0] =	vst.idx.add.f32.msk $0xffff, v6  }
.LBB2_5:
0x55: {  	s28 =	sshra.s32 s26, $0x2;
	p0 =	sne.s32 s26, $0x1F00;
	s26 =	sadd.s32 $0x100, s26;
	[tilespmem:v1+s20+$0x0] =	vst.idx.add.f32.msk $0xffff, v2  }
0x56: {  	[tilespmem:v1+s21+$0x0] =	vst.idx.add.f32.msk $0xffff, v3  }
0x57: {  	[tilespmem:v1+s22+$0x0] =	vst.idx.add.f32.msk $0xffff, v4  }
0x58: {  	v1 =	vld [tilespmem:s28+$0x14000];
	_ =	sdelay $0x2  }
0x59: {  	v4 =	vld [tilespmem:s28+$0x15030]  }
0x5a: {  	v2 =	vld [tilespmem:s28+$0x14010]  }
0x5b: {  	v3 =	vand.u32 $0xFFFF, v1;
	v5 =	vld [tilespmem:s28+$0x14020]  }
0x5c: {  	v6 =	vld [tilespmem:s28+$0x15020]  }
0x5d: {  	v7 =	vld [tilespmem:s28+$0x15000]  }
0x5e: {  	v8 =	vld [tilespmem:s28+$0x15010]  }
0x5f: {  	v9 =	vand.u32 $0xFFFF, v2;
	v10 =	vld [tilespmem:s28+$0x14030]  }
0x60: {  	v11 =	vld.idx.msk [tilespmem:v3+s2+$0x0], $0xffff;
	v12 =	vand.u32 $0xFFFF, v5  }
0x61: {  	v13 =	vld.idx.msk [tilespmem:v3+s16+$0x0], $0xffff  }
0x62: {  	v14 =	vld.idx.msk [tilespmem:v3+s18+$0x0], $0xffff  }
0x63: {  	v3 =	vld.idx.msk [tilespmem:v3+s17+$0x0], $0xffff  }
0x64: {  	v15 =	vld.idx.msk [tilespmem:v9+s18+$0x0], $0xffff  }
0x65: {  	v16 =	vld.idx.msk [tilespmem:v9+s17+$0x0], $0xffff  }
0x66: {  	v18 =	vand.u32 $0xFFFF, v10;
	v11 =	vmul.f32 v11, v7;
	v17 =	vld.idx.msk [tilespmem:v9+s2+$0x0], $0xffff  }
0x67: {  	v13 =	vmul.f32 v13, v7;
	v19 =	vld.idx.msk [tilespmem:v12+s18+$0x0], $0xffff  }
0x68: {  	v14 =	vmul.f32 v14, v7;
	v20 =	vld.idx.msk [tilespmem:v12+s17+$0x0], $0xffff  }
0x69: {  	v3 =	vmul.f32 v3, v7;
	v7 =	vld.idx.msk [tilespmem:v9+s16+$0x0], $0xffff  }
0x6a: {  	v1 =	vshrl.u32 v1, $0x10;
	v9 =	vmul.f32 v15, v8;
	v15 =	vld.idx.msk [tilespmem:v12+s2+$0x0], $0xffff  }
0x6b: {  	v16 =	vmul.f32 v16, v8;
	v21 =	vld.idx.msk [tilespmem:v18+s18+$0x0], $0xffff  }
0x6c: {  	v17 =	vmul.f32 v17, v8;
	v12 =	vld.idx.msk [tilespmem:v12+s16+$0x0], $0xffff  }
0x6d: {  	v19 =	vmul.f32 v19, v6;
	v22 =	vld.idx.msk [tilespmem:v18+s17+$0x0], $0xffff  }
0x6e: {  	v2 =	vshrl.u32 v2, $0x10;
	v23 =	vld.idx.msk [tilespmem:v18+s16+$0x0], $0xffff  }
0x6f: {  	v7 =	vmul.f32 v7, v8;
	v8 =	vld.idx.msk [tilespmem:v18+s2+$0x0], $0xffff  }
0x70: {  	[tilespmem:v1+s19+$0x0] =	vst.idx.add.f32.msk $0xffff, v11  }
0x71: {  	[tilespmem:v1+s20+$0x0] =	vst.idx.add.f32.msk $0xffff, v13  }
0x72: {  	v5 =	vshrl.u32 v5, $0x10;
	v11 =	vmul.f32 v15, v6;
	[tilespmem:v1+s21+$0x0] =	vst.idx.add.f32.msk $0xffff, v3  }
0x73: {  	v3 =	vmul.f32 v12, v6;
	[tilespmem:v1+s22+$0x0] =	vst.idx.add.f32.msk $0xffff, v14  }
0x74: {  	[tilespmem:v2+s19+$0x0] =	vst.idx.add.f32.msk $0xffff, v17  }
0x75: {  	[tilespmem:v2+s20+$0x0] =	vst.idx.add.f32.msk $0xffff, v7  }
0x76: {  	v1 =	vshrl.u32 v10, $0x10;
	[tilespmem:v2+s21+$0x0] =	vst.idx.add.f32.msk $0xffff, v16  }
0x77: {  	v6 =	vmul.f32 v20, v6;
	[tilespmem:v2+s22+$0x0] =	vst.idx.add.f32.msk $0xffff, v9  }
.Ltmp3:
0x78: {  	[tilespmem:v5+s19+$0x0] =	vst.idx.add.f32.msk $0xffff, v11;
	(pc) =	sbr.rel @p0 .LBB2_5-.Ltmp3, $4  }
0x79: {  	v7 =	vmul.f32 v8, v4;
	[tilespmem:v5+s20+$0x0] =	vst.idx.add.f32.msk $0xffff, v3  }
0x7a: {  	v2 =	vmul.f32 v23, v4;
	[tilespmem:v5+s21+$0x0] =	vst.idx.add.f32.msk $0xffff, v6  }
0x7b: {  	v3 =	vmul.f32 v22, v4;
	[tilespmem:v5+s22+$0x0] =	vst.idx.add.f32.msk $0xffff, v19  }
0x7c: {  	v4 =	vmul.f32 v21, v4;
	[tilespmem:v1+s19+$0x0] =	vst.idx.add.f32.msk $0xffff, v7  }
0x7d: {  	_ =	sdelay $0x3  }
0x7e: {  	[tilespmem:v1+s20+$0x0] =	vst.idx.add.f32.msk $0xffff, v2;
	s26 =	sshll.u32 s25, $0x9;
	p0 =	seq.s32 s25, $0x4F  }
0x7f: {  	[tilespmem:v1+s21+$0x0] =	vst.idx.add.f32.msk $0xffff, v3;
	s28 =	sadd.s32 @!p0 $0x200, s26  }
0x80: {  	s30 =	simm.s32 @!p0 $0x0;
	s31 =	simm.s32 @!p0 $0x14000;
	[tilespmem:v1+s22+$0x0] =	vst.idx.add.f32.msk $0xffff, v4;
	s29 =	sadd.s32 @!p0 s3, s28  }
0x81: {  	[tilespmem:s31], [sflag:$0x1] =	stream.linear.gather @!p0 [hbm4b:s29+s30], $0x800, $0x38;
	[tilespmem:$0x16000] =	vst v63  }
0x82: {  	s28 =	sadd.s32 @!p0 s4, s28;
	s29 =	simm.s32 @!p0 $0x15000  }
0x83: {  	[tilespmem:s29], [sflag:$0x1] =	stream.linear.gather @!p0 [hbm4b:s28+s30], $0x800, $0x38;
	[tilespmem:$0x16000] =	vst v63  }
0x84: {  	_ =	swait.ge [sflag:s23], $0x800  }
0x85: {  	[sflag:s23] =	ssyncset.done $0x0  }
0x86: {  	[sflag:s23] =	ssyncadd.s32 $0xFFFFF800  }
0x87: {  	_ =	swait.ge [sflag:s23], $0x800  }
0x88: {  	[sflag:s23] =	ssyncset.done $0x0  }
0x89: {  	s28 =	simm.s32 $0x0;
	[sflag:s23] =	ssyncadd.s32 $0xFFFFF800  }
0x8a: {  	v1 =	vld [tilespmem:s28+$0x14800];
	_ =	sdelay $0x2  }
0x8b: {  	v4 =	vld [tilespmem:s28+$0x15830]  }
0x8c: {  	v2 =	vld [tilespmem:s28+$0x14810]  }
0x8d: {  	v5 =	vld [tilespmem:s28+$0x14820];
	v3 =	vand.u32 $0xFFFF, v1  }
0x8e: {  	v6 =	vld [tilespmem:s28+$0x15820]  }
0x8f: {  	v7 =	vld [tilespmem:s28+$0x15800]  }
0x90: {  	v8 =	vld [tilespmem:s28+$0x15810]  }
0x91: {  	v10 =	vld [tilespmem:s28+$0x14830];
	v9 =	vand.u32 $0xFFFF, v2  }
0x92: {  	v11 =	vld.idx.msk [tilespmem:v3+s2+$0x0], $0xffff  }
0x93: {  	v12 =	vld.idx.msk [tilespmem:v3+s16+$0x0], $0xffff  }
0x94: {  	v13 =	vand.u32 $0xFFFF, v5;
	v14 =	vld.idx.msk [tilespmem:v3+s18+$0x0], $0xffff  }
0x95: {  	v3 =	vld.idx.msk [tilespmem:v3+s17+$0x0], $0xffff  }
0x96: {  	v15 =	vld.idx.msk [tilespmem:v9+s18+$0x0], $0xffff  }
0x97: {  	v16 =	vld.idx.msk [tilespmem:v9+s17+$0x0], $0xffff  }
0x98: {  	v18 =	vand.u32 $0xFFFF, v10;
	v17 =	vld.idx.msk [tilespmem:v9+s2+$0x0], $0xffff  }
0x99: {  	v19 =	vld.idx.msk [tilespmem:v13+s18+$0x0], $0xffff  }
0x9a: {  	v20 =	vld.idx.msk [tilespmem:v13+s17+$0x0], $0xffff  }
0x9b: {  	v9 =	vld.idx.msk [tilespmem:v9+s16+$0x0], $0xffff  }
0x9c: {  	v21 =	vld.idx.msk [tilespmem:v13+s2+$0x0], $0xffff  }
0x9d: {  	v1 =	vshrl.u32 v1, $0x10;
	v22 =	vld.idx.msk [tilespmem:v18+s18+$0x0], $0xffff  }
0x9e: {  	v13 =	vld.idx.msk [tilespmem:v13+s16+$0x0], $0xffff  }
0x9f: {  	v23 =	vld.idx.msk [tilespmem:v18+s17+$0x0], $0xffff  }
0xa0: {  	v24 =	vld.idx.msk [tilespmem:v18+s16+$0x0], $0xffff;
	v11 =	vmul.f32 v11, v7  }
0xa1: {  	v2 =	vshrl.u32 v2, $0x10;
	v18 =	vld.idx.msk [tilespmem:v18+s2+$0x0], $0xffff;
	v12 =	vmul.f32 v12, v7  }
0xa2: {  	v3 =	vmul.f32 v3, v7;
	[tilespmem:v1+s19+$0x0] =	vst.idx.add.f32.msk $0xffff, v11  }
0xa3: {  	v7 =	vmul.f32 v14, v7;
	[tilespmem:v1+s20+$0x0] =	vst.idx.add.f32.msk $0xffff, v12  }
0xa4: {  	v62 =	vmul.f32 v17, v8;
	[tilespmem:v1+s21+$0x0] =	vst.idx.add.f32.msk $0xffff, v3  }
0xa5: {  	v5 =	vshrl.u32 v5, $0x10;
	v3 =	vmul.f32 v9, v8;
	[tilespmem:v1+s22+$0x0] =	vst.idx.add.f32.msk $0xffff, v7  }
0xa6: {  	v1 =	vmul.f32 v16, v8;
	[tilespmem:v2+s19+$0x0] =	vst.idx.add.f32.msk $0xffff, v62  }
0xa7: {  	v7 =	vmul.f32 v15, v8;
	[tilespmem:v2+s20+$0x0] =	vst.idx.add.f32.msk $0xffff, v3  }
0xa8: {  	v3 =	vmul.f32 v21, v6;
	[tilespmem:v2+s21+$0x0] =	vst.idx.add.f32.msk $0xffff, v1  }
0xa9: {  	v63 =	vmul.f32 v13, v6;
	v1 =	vshrl.u32 v10, $0x10;
	[tilespmem:v2+s22+$0x0] =	vst.idx.add.f32.msk $0xffff, v7  }
0xaa: {  	v2 =	vmul.f32 v20, v6;
	[tilespmem:v5+s19+$0x0] =	vst.idx.add.f32.msk $0xffff, v3  }
0xab: {  	v3 =	vmul.f32 v19, v6;
	[tilespmem:v5+s20+$0x0] =	vst.idx.add.f32.msk $0xffff, v63  }
0xac: {  	v6 =	vmul.f32 v18, v4;
	[tilespmem:v5+s21+$0x0] =	vst.idx.add.f32.msk $0xffff, v2  }
0xad: {  	v2 =	vmul.f32 v24, v4;
	[tilespmem:v5+s22+$0x0] =	vst.idx.add.f32.msk $0xffff, v3  }
0xae: {  	s28 =	simm.s32 $0x100;
	v3 =	vmul.f32 v23, v4;
	v4 =	vmul.f32 v22, v4;
	[tilespmem:v1+s19+$0x0] =	vst.idx.add.f32.msk $0xffff, v6  }
.LBB2_7:
0xaf: {  	s29 =	sshra.s32 s28, $0x2;
	p1 =	sne.s32 s28, $0x1F00;
	s28 =	sadd.s32 $0x100, s28;
	[tilespmem:v1+s20+$0x0] =	vst.idx.add.f32.msk $0xffff, v2  }
0xb0: {  	[tilespmem:v1+s21+$0x0] =	vst.idx.add.f32.msk $0xffff, v3  }
0xb1: {  	[tilespmem:v1+s22+$0x0] =	vst.idx.add.f32.msk $0xffff, v4  }
0xb2: {  	v1 =	vld [tilespmem:s29+$0x14800];
	_ =	sdelay $0x2  }
0xb3: {  	v4 =	vld [tilespmem:s29+$0x15830]  }
0xb4: {  	v2 =	vld [tilespmem:s29+$0x14810]  }
0xb5: {  	v3 =	vand.u32 $0xFFFF, v1;
	v5 =	vld [tilespmem:s29+$0x14820]  }
0xb6: {  	v6 =	vld [tilespmem:s29+$0x15820]  }
0xb7: {  	v7 =	vld [tilespmem:s29+$0x15800]  }
0xb8: {  	v8 =	vld [tilespmem:s29+$0x15810]  }
0xb9: {  	v9 =	vand.u32 $0xFFFF, v2;
	v10 =	vld [tilespmem:s29+$0x14830]  }
0xba: {  	v11 =	vld.idx.msk [tilespmem:v3+s2+$0x0], $0xffff;
	v12 =	vand.u32 $0xFFFF, v5  }
0xbb: {  	v13 =	vld.idx.msk [tilespmem:v3+s16+$0x0], $0xffff  }
0xbc: {  	v14 =	vld.idx.msk [tilespmem:v3+s18+$0x0], $0xffff  }
0xbd: {  	v3 =	vld.idx.msk [tilespmem:v3+s17+$0x0], $0xffff  }
0xbe: {  	v15 =	vld.idx.msk [tilespmem:v9+s18+$0x0], $0xffff  }
0xbf: {  	v16 =	vld.idx.msk [tilespmem:v9+s17+$0x0], $0xffff  }
0xc0: {  	v18 =	vand.u32 $0xFFFF, v10;
	v11 =	vmul.f32 v11, v7;
	v17 =	vld.idx.msk [tilespmem:v9+s2+$0x0], $0xffff  }
0xc1: {  	v13 =	vmul.f32 v13, v7;
	v19 =	vld.idx.msk [tilespmem:v12+s18+$0x0], $0xffff  }
0xc2: {  	v14 =	vmul.f32 v14, v7;
	v20 =	vld.idx.msk [tilespmem:v12+s17+$0x0], $0xffff  }
0xc3: {  	v3 =	vmul.f32 v3, v7;
	v7 =	vld.idx.msk [tilespmem:v9+s16+$0x0], $0xffff  }
0xc4: {  	v1 =	vshrl.u32 v1, $0x10;
	v9 =	vmul.f32 v15, v8;
	v15 =	vld.idx.msk [tilespmem:v12+s2+$0x0], $0xffff  }
0xc5: {  	v16 =	vmul.f32 v16, v8;
	v21 =	vld.idx.msk [tilespmem:v18+s18+$0x0], $0xffff  }
0xc6: {  	v17 =	vmul.f32 v17, v8;
	v12 =	vld.idx.msk [tilespmem:v12+s16+$0x0], $0xffff  }
0xc7: {  	v19 =	vmul.f32 v19, v6;
	v22 =	vld.idx.msk [tilespmem:v18+s17+$0x0], $0xffff  }
0xc8: {  	v2 =	vshrl.u32 v2, $0x10;
	v23 =	vld.idx.msk [tilespmem:v18+s16+$0x0], $0xffff  }
0xc9: {  	v7 =	vmul.f32 v7, v8;
	v8 =	vld.idx.msk [tilespmem:v18+s2+$0x0], $0xffff  }
0xca: {  	[tilespmem:v1+s19+$0x0] =	vst.idx.add.f32.msk $0xffff, v11  }
0xcb: {  	[tilespmem:v1+s20+$0x0] =	vst.idx.add.f32.msk $0xffff, v13  }
0xcc: {  	v5 =	vshrl.u32 v5, $0x10;
	v11 =	vmul.f32 v15, v6;
	[tilespmem:v1+s21+$0x0] =	vst.idx.add.f32.msk $0xffff, v3  }
0xcd: {  	v3 =	vmul.f32 v12, v6;
	[tilespmem:v1+s22+$0x0] =	vst.idx.add.f32.msk $0xffff, v14  }
0xce: {  	[tilespmem:v2+s19+$0x0] =	vst.idx.add.f32.msk $0xffff, v17  }
0xcf: {  	[tilespmem:v2+s20+$0x0] =	vst.idx.add.f32.msk $0xffff, v7  }
0xd0: {  	v1 =	vshrl.u32 v10, $0x10;
	[tilespmem:v2+s21+$0x0] =	vst.idx.add.f32.msk $0xffff, v16  }
0xd1: {  	v6 =	vmul.f32 v20, v6;
	[tilespmem:v2+s22+$0x0] =	vst.idx.add.f32.msk $0xffff, v9  }
.Ltmp4:
0xd2: {  	[tilespmem:v5+s19+$0x0] =	vst.idx.add.f32.msk $0xffff, v11;
	(pc) =	sbr.rel @p1 .LBB2_7-.Ltmp4, $4  }
0xd3: {  	v7 =	vmul.f32 v8, v4;
	[tilespmem:v5+s20+$0x0] =	vst.idx.add.f32.msk $0xffff, v3  }
0xd4: {  	v2 =	vmul.f32 v23, v4;
	[tilespmem:v5+s21+$0x0] =	vst.idx.add.f32.msk $0xffff, v6  }
0xd5: {  	v3 =	vmul.f32 v22, v4;
	[tilespmem:v5+s22+$0x0] =	vst.idx.add.f32.msk $0xffff, v19  }
0xd6: {  	v4 =	vmul.f32 v21, v4;
	[tilespmem:v1+s19+$0x0] =	vst.idx.add.f32.msk $0xffff, v7  }
0xd7: {  	_ =	sdelay $0x1  }
.Ltmp5:
0xd8: {  	_ = 	snop;
	(pc) =	sbr.rel @p0 .LBB2_10-.Ltmp5, $4  }
0xd9: {  	_ = 	snop  }
0xda: {  	[tilespmem:v1+s20+$0x0] =	vst.idx.add.f32.msk $0xffff, v2  }
0xdb: {  	[tilespmem:v1+s21+$0x0] =	vst.idx.add.f32.msk $0xffff, v3  }
0xdc: {  	[tilespmem:v1+s22+$0x0] =	vst.idx.add.f32.msk $0xffff, v4  }
.Ltmp6:
0xdd: {  	s26 =	sadd.s32 $0x300, s26;
	(pc) =	sbr.rel .LBB2_4-.Ltmp6, $4  }
0xde: {  	s28 =	sadd.s32 s3, s26  }
0xdf: {  	[tilespmem:s13], [sflag:$0x2] =	stream.linear.gather [hbm4b:s28+s2], $0x800, $0x38;
	[tilespmem:$0x16000] =	vst v63  }
0xe0: {  	s25 =	sadd.s32 $0x1, s25;
	s26 =	sadd.s32 s4, s26  }
0xe1: {  	[tilespmem:s14], [sflag:$0x2] =	stream.linear.gather [hbm4b:s26+s2], $0x800, $0x38;
	[tilespmem:$0x16000] =	vst v63  }
.LBB2_11:
0xe2: {  	_ =	sfence.sel $0x180000  }
0xe3: {  	[bflag:$0x0] =	sbarrier.arrive $0xFFFF  }
0xe4: {  	p0 =	sne.s32 s0, $0x0;
	_ =	strace $0x90000047  }
0xe5: {  	s0 =	sadd.s32 @!p0 $0x100000, s1;
	[bflag:$0x2] =	sbarrier.arrive $0xFFFF  }
0xe6: {  	[sflag:s0] =	ssyncadd.tile.s32 @!p0 $0x1;
	_ =	shalt  }
.Lfunc_end2:
_tile_overlayer_lowered:
.L_overlay_start_2:
0xe7: {  	(tag) =	ssettag $0x2  }
0xe8: {  	s0 =	rddreg [dreg:$0x0];
	s2 =	stileid.u32  }
0xe9: {  	s1 =	rddreg [dreg:$0x1];
	p0 =	sne.s32 s2, $0x0  }
0xea: {  	s3 =	rddreg [dreg:$0x2];
	[bflag:$0x3] =	sbarrier.arrive $0xFFFF;
	s2 =	simm.s32 @!p0 $0x1C03  }
0xeb: {  	[timem:s3], [sflag:s2] =	dma.local @!p0 [hbm:s0], s1  }
0xec: {  	s0 =	simm.s32 @!p0 $0x3  }
0xed: {  	_ =	swait.ge @!p0 [sflag:s0], s1  }
0xee: {  	s1 =	ssub.s32 @!p0 $0x0, s1;
	[sflag:s0] =	ssyncset.done @!p0 $0x0  }
0xef: {  	[sflag:s0] =	ssyncadd.s32 @!p0 s1  }
0xf0: {  	[bflag:$0x3] =	sbarrier.arrive $0xFFFF  }
0xf1: {  	_ =	shalt  }

</sc_bundles>
